<compile_context>
chip_gen: v7x
topology: tpu7x:2x2x1
jax: 0.10.2.dev20260603
libtpu: 0.0.44.dev20260713+nightly
codegen_flags: <defaults>
</compile_context>

<pallas_src>
import functools

import jax
import jax.numpy as jnp
from jax import lax
from jax.experimental import pallas as pl
from jax.experimental.pallas import tpu as pltpu
from jax.experimental.pallas import tpu_sc as plsc

D = 512
SIZE = 65536
SC_SIZE = 24576
TC_SIZE = SIZE - SC_SIZE
TC_BLK = 2048
NC = 2
NS = 16
NW = NC * NS
ROWS_PER_W = SC_SIZE // NW
CHUNK = 64
NBUF = 2
NCHUNK = ROWS_PER_W // CHUNK
NGROUPS = NCHUNK // NBUF
NSUB = CHUNK // 16
DCH = D // 16
SKEW = 17

_mesh = plsc.VectorSubcoreMesh(core_axis_name="c", subcore_axis_name="s")


@functools.partial(
    pl.kernel,
    mesh=_mesh,
    compiler_params=pltpu.CompilerParams(needs_layout_passes=False),
    out_type=[
        jax.ShapeDtypeStruct((NW, 3, 16), jnp.float32),
        jax.ShapeDtypeStruct((NW, 3, 16), jnp.int32),
    ],
    scratch_types=[
        pltpu.VMEM((D,), jnp.float32),
        pltpu.VMEM((CHUNK, D), jnp.float32),
        pltpu.VMEM((CHUNK, D), jnp.float32),
        pltpu.VMEM((3, 16), jnp.float32),
        pltpu.VMEM((3, 16), jnp.int32),
        pltpu.SemaphoreType.DMA,
        pltpu.SemaphoreType.DMA,
    ],
)
def _phase1(
    x_hbm, w_hbm, vals_hbm, idx_hbm,
    x_v, buf0, buf1, bv_v, bi_v, sem0, sem1,
):
    bufs = (buf0, buf1)
    sems = (sem0, sem1)
    wid = lax.axis_index("s") * NC + lax.axis_index("c")
    row0 = wid * ROWS_PER_W

    pltpu.sync_copy(x_hbm, x_v)

    lane = lax.iota(jnp.int32, 16)
    zero = jnp.zeros((16,), jnp.float32)
    k17 = lane * SKEW
    rowvs = [lane + 16 * sg for sg in range(NSUB)]

    H = CHUNK // 2

    def dma_halves(c, b):
        r = row0 + c * CHUNK
        return (
            pltpu.make_async_copy(
                w_hbm.at[pl.ds(r, H), :], bufs[b].at[pl.ds(0, H), :], sems[b]
            ),
            pltpu.make_async_copy(
                w_hbm.at[pl.ds(r + H, H), :],
                bufs[b].at[pl.ds(H, H), :],
                sems[b],
            ),
        )

    def dma_start(c, b):
        for h in dma_halves(c, b):
            h.start()

    def dma_wait(c, b):
        for h in dma_halves(c, b):
            h.wait()

    dma_start(0, 0)
    dma_start(1, 1)

    def process_chunk(b, c, carry):
        def dc_body(dc, accs):
            a = list(accs)
            for dd in range(8):
                colv = (jnp.broadcast_to(dc * 8 + dd, (16,)) + k17) & 511
                xv = plsc.load_gather(x_v, [colv])
                for sg in range(NSUB):
                    g = plsc.load_gather(bufs[b], [rowvs[sg], colv])
                    dlt = g - xv
                    a[2 * sg + (dd & 1)] = a[2 * sg + (dd & 1)] + dlt * dlt
            return tuple(a)

        accs = lax.fori_loop(0, D // 8, dc_body, (zero,) * (2 * NSUB))

        bv0, bv1, bv2, bi0, bi1, bi2 = carry
        for sg in range(NSUB):
            d2 = accs[2 * sg] + accs[2 * sg + 1]
            giv = jnp.broadcast_to(
                (row0 + c * CHUNK + sg * 16).astype(jnp.int32), (16,)
            ) + lane
            lt0 = d2 < bv0
            lt1 = d2 < bv1
            lt2 = d2 < bv2
            nb0 = jnp.where(lt0, d2, bv0)
            ni0 = jnp.where(lt0, giv, bi0)
            nb1 = jnp.where(lt0, bv0, jnp.where(lt1, d2, bv1))
            ni1 = jnp.where(lt0, bi0, jnp.where(lt1, giv, bi1))
            nb2 = jnp.where(lt1, bv1, jnp.where(lt2, d2, bv2))
            ni2 = jnp.where(lt1, bi1, jnp.where(lt2, giv, bi2))
            bv0, bv1, bv2, bi0, bi1, bi2 = nb0, nb1, nb2, ni0, ni1, ni2
        return bv0, bv1, bv2, bi0, bi1, bi2

    def group_body(g, carry):
        for b in range(NBUF):
            c = g * NBUF + b
            dma_wait(c, b)
            carry = process_chunk(b, c, carry)

            @pl.when(g < NGROUPS - 1)
            def _():
                dma_start(c + NBUF, b)

        return carry

    infv = jnp.full((16,), jnp.inf, jnp.float32)
    zidx = jnp.zeros((16,), jnp.int32)
    carry = lax.fori_loop(
        0, NGROUPS, group_body, (infv, infv, infv, zidx, zidx, zidx)
    )
    bv0, bv1, bv2, bi0, bi1, bi2 = carry

    bv_v[0, :] = bv0
    bv_v[1, :] = bv1
    bv_v[2, :] = bv2
    bi_v[0, :] = bi0
    bi_v[1, :] = bi1
    bi_v[2, :] = bi2
    pltpu.sync_copy(bv_v, vals_hbm.at[wid])
    pltpu.sync_copy(bi_v, idx_hbm.at[wid])


def _tc_dist_body(x_ref, w_ref, out_ref):
    w = w_ref[...]
    xx = x_ref[...]
    dlt = w - xx
    out_ref[...] = jnp.sum(dlt * dlt, axis=1, keepdims=True).reshape(1, 1, TC_BLK)


def _tc_dist(x2d, weights):
    nblk = TC_SIZE // TC_BLK
    return pl.pallas_call(
        _tc_dist_body,
        grid=(nblk,),
        in_specs=[
            pl.BlockSpec((1, D), lambda i: (0, 0)),
            pl.BlockSpec((TC_BLK, D), lambda i: (i + SC_SIZE // TC_BLK, 0)),
        ],
        out_specs=pl.BlockSpec((1, 1, TC_BLK), lambda i: (i, 0, 0)),
        out_shape=jax.ShapeDtypeStruct((nblk, 1, TC_BLK), jnp.float32),
    )(x2d, weights)


def _merge_body(vals_ref, idx_ref, d2tc_ref, probs_ref, k_ref, out_ref):
    v = vals_ref[...].reshape(NW * 3, 16)
    ii = idx_ref[...].reshape(NW * 3, 16)
    lin = (
        lax.broadcasted_iota(jnp.int32, (NW * 3, 16), 0) * 16
        + lax.broadcasted_iota(jnp.int32, (NW * 3, 16), 1)
    )
    vt = d2tc_ref[...].reshape(TC_SIZE // TC_BLK, TC_BLK)
    lint = (
        lax.broadcasted_iota(jnp.int32, vt.shape, 0) * vt.shape[1]
        + lax.broadcasted_iota(jnp.int32, vt.shape, 1)
    )
    probs = probs_ref[...]
    fiota = (
        lax.broadcasted_iota(jnp.int32, probs.shape, 0) * probs.shape[1]
        + lax.broadcasted_iota(jnp.int32, probs.shape, 1)
    )
    kv = k_ref[0, 0]

    big = jnp.int32(2**30)
    num = jnp.float32(0.0)
    den = jnp.float32(0.0)
    for t in range(3):
        ms = jnp.min(v)
        mt = jnp.min(vt)
        take_sc = ms <= mt
        m = jnp.where(take_sc, ms, mt)
        pos_s = jnp.min(jnp.where(v == ms, lin, big))
        g_s = jnp.sum(jnp.where(lin == pos_s, ii, 0))
        pos_t = jnp.min(jnp.where(vt == mt, lint, big))
        gidx = jnp.where(take_sc, g_s, SC_SIZE + pos_t)
        e = jnp.exp(jnp.sqrt(jnp.maximum(m, 0.0)))
        p = jnp.sum(jnp.where(fiota == gidx, probs, 0.0))
        num = num + jnp.where(t < kv, p * e, 0.0)
        den = den + e
        v = jnp.where((lin == pos_s) & take_sc, jnp.float32(jnp.inf), v)
        vt = jnp.where(
            (lint == pos_t) & jnp.logical_not(take_sc), jnp.float32(jnp.inf), vt
        )

    out_ref[...] = jnp.broadcast_to(num / den, (1, 1))


def _phase2(vals, idxs, d2tc, probs2d, k_arr):
    return pl.pallas_call(
        _merge_body,
        out_shape=jax.ShapeDtypeStruct((1, 1), jnp.float32),
    )(vals, idxs, d2tc, probs2d, k_arr)


def kernel(x, weights, probabilities, k):
    x2d = x.reshape(1, D)
    vals, idxs = _phase1(x, weights)
    d2tc = _tc_dist(x2d, weights)
    probs2d = probabilities.reshape(D, SIZE // D)
    k_arr = jnp.asarray(k, jnp.int32).reshape(1, 1)
    out = _phase2(vals, idxs, d2tc, probs2d, k_arr)
    return out[0, 0]

# --- scband reference (transcript-rebuilt; emitter-appended) ---
"""Pipeline reference for scband-som-85993835201102 (READ-ONLY COPY).

The authoritative reference and input builder live on the scoring server;
editing this copy changes nothing except your own understanding.
"""

import jax, jax.numpy as jnp
import numpy as np

WIDTH = 256
HEIGHT = 256
SIZE = WIDTH * HEIGHT
NUM_DIM = 512


def setup_inputs(seed: int = 0) -> dict:
    key = jax.random.key(seed)
    k1, k2, k3 = jax.random.split(key, 3)
    x = jax.random.normal(k1, (NUM_DIM,), dtype=jnp.float32)
    # SOM prototype weights: torch.rand(size, num_dim) -> uniform [0,1)
    weights = jax.random.uniform(k2, (SIZE, NUM_DIM), dtype=jnp.float32)
    # probabilities buffer (initialized to zeros in the module; use rand so the
    # output is non-trivially nonzero for numerical comparison)
    probabilities = jax.random.uniform(k3, (SIZE,), dtype=jnp.float32)
    return {"x": x, "weights": weights, "probabilities": probabilities, "k": 3}


def reference(x, weights, probabilities, k):
    # knn(): euclidean distance of query to every prototype
    dist = jnp.linalg.norm(weights - x[None, :], axis=1)
    # softmax over distances (as in the torch code: exp(dist)/sum(exp(dist)))
    dist = jnp.exp(dist) / jnp.sum(jnp.exp(dist))
    # topk(3, largest=False): 3 smallest values -> top_k on negated dist
    neg_vals, idx = jax.lax.top_k(-dist, 3)
    distances = dist[idx]
    # forward(): normalize selected distances
    distances = distances / jnp.sum(distances)
    # mode='marginal': sum_i probabilities[idx[i]] * distances[i] for i in range(k)
    prob = probabilities[idx] * distances
    mask = jnp.arange(idx.shape[0]) < k
    return jnp.sum(jnp.where(mask, prob, jnp.zeros_like(prob)))

if __name__ == "__main__":
    import jax
    _d = setup_inputs()
    print(jax.jit(kernel)(*tuple(_d.values())))

</pallas_src>

<mosaic_0001>
#map = affine_map<(d0, d1) -> (0)>
#map1 = affine_map<(d0, d1) -> (0, 0)>
#map2 = affine_map<(d0, d1) -> (0, 0, 0)>
module attributes {stable_mosaic.version = 14 : i64} {
  func.func @_phase1(%arg0: i32, %arg1: i32, %arg2: memref<512xf32, #tpu.memory_space<hbm>>, %arg3: memref<65536x512xf32, #tpu.memory_space<hbm>>, %arg4: memref<32x3x16xf32, #tpu.memory_space<hbm>>, %arg5: memref<32x3x16xi32, #tpu.memory_space<hbm>>, %arg6: memref<512xf32, #tpu.memory_space<vmem>>, %arg7: memref<64x512xf32, #tpu.memory_space<vmem>>, %arg8: memref<64x512xf32, #tpu.memory_space<vmem>>, %arg9: memref<3x16xf32, #tpu.memory_space<vmem>>, %arg10: memref<3x16xi32, #tpu.memory_space<vmem>>, %arg11: memref<!tpu.dma_semaphore, #tpu.memory_space<semaphore_mem>>, %arg12: memref<!tpu.dma_semaphore, #tpu.memory_space<semaphore_mem>>) attributes {dimension_semantics = [#tpu.dimension_semantics<core_parallel>, #tpu.dimension_semantics<subcore_parallel>], iteration_bounds = array<i64: 2, 16>, scalar_prefetch = 0 : i64, scratch_operands = 7 : i64, tpu.core_type = #tpu.core_type<sc_vector_subcore>, window_params = [{transform_indices = #map}, {transform_indices = #map1}, {transform_indices = #map2}, {transform_indices = #map2}]} {
    %mul3A = arith.constant 2 : i32
    %mul3A_0 = arith.muli %arg1, %mul3A : i32
    %add3A = arith.addi %mul3A_0, %arg0 : i32
    %mul3A_1 = arith.constant 768 : i32
    %mul3A_2 = arith.muli %add3A, %mul3A_1 : i32
    "tpu.region"() ({
      %run_scoped3A = tpu.sem_alloc : memref<!tpu.dma_semaphore, #tpu.memory_space<semaphore_mem>>
      tpu.enqueue_dma source(%arg2 : memref<512xf32, #tpu.memory_space<hbm>>) target(%arg6 : memref<512xf32, #tpu.memory_space<vmem>>) target_semaphore(%run_scoped3A : memref<!tpu.dma_semaphore, #tpu.memory_space<semaphore_mem>>)
      tpu.wait_dma2 semaphore(%run_scoped3A : memref<!tpu.dma_semaphore, #tpu.memory_space<semaphore_mem>>) src(%arg2 : memref<512xf32, #tpu.memory_space<hbm>>) dst(%arg6 : memref<512xf32, #tpu.memory_space<vmem>>)
      tpu.yield
    }) : () -> ()
    %iota3A = tpu.iota {dimensions = array<i32: 0>} : vector<16xi32>
    %broadcast_in_dim3A = arith.constant 0.000000e+00 : f32
    %broadcast_in_dim3A_3 = vector.broadcast %broadcast_in_dim3A : f32 to vector<16xf32>
    %mul3A_4 = arith.constant 17 : i32
    %mul3A_5 = vector.broadcast %mul3A_4 : i32 to vector<16xi32>
    %mul3A_6 = arith.muli %iota3A, %mul3A_5 : vector<16xi32>
    %add3A_7 = arith.constant 0 : i32
    %add3A_8 = vector.broadcast %add3A_7 : i32 to vector<16xi32>
    %add3A_9 = arith.addi %iota3A, %add3A_8 : vector<16xi32>
    %add3A_10 = arith.constant 16 : i32
    %add3A_11 = vector.broadcast %add3A_10 : i32 to vector<16xi32>
    %add3A_12 = arith.addi %iota3A, %add3A_11 : vector<16xi32>
    %add3A_13 = arith.constant 32 : i32
    %add3A_14 = vector.broadcast %add3A_13 : i32 to vector<16xi32>
    %add3A_15 = arith.addi %iota3A, %add3A_14 : vector<16xi32>
    %add3A_16 = arith.constant 48 : i32
    %add3A_17 = vector.broadcast %add3A_16 : i32 to vector<16xi32>
    %add3A_18 = arith.addi %iota3A, %add3A_17 : vector<16xi32>
    %add3A_19 = arith.constant 0 : i32
    %add3A_20 = arith.addi %mul3A_2, %add3A_19 : i32
    %add3A_21 = arith.constant 32 : i32
    %add3A_22 = arith.addi %add3A_20, %add3A_21 : i32
    %dma_start3A = arith.constant 0 : i32
    %dma_start3A_23 = arith.constant 0 : i32
    %dma_start3A_24 = tpu.memref_slice %arg7[%dma_start3A, %dma_start3A_23] : memref<64x512xf32, #tpu.memory_space<vmem>> -> memref<32x512xf32, #tpu.memory_space<vmem>>
    %dma_start3A_25 = arith.constant 0 : i32
    %dma_start3A_26 = tpu.memref_slice %arg3[%add3A_20, %dma_start3A_25] : memref<65536x512xf32, #tpu.memory_space<hbm>> -> memref<32x512xf32, #tpu.memory_space<hbm>>
    %dma_start3A_27 = arith.constant 0 : i32
    %dma_start3A_28 = arith.constant 0 : i32
    %dma_start3A_29 = tpu.memref_slice %arg7[%dma_start3A_27, %dma_start3A_28] : memref<64x512xf32, #tpu.memory_space<vmem>> -> memref<32x512xf32, #tpu.memory_space<vmem>>
    %dma_start3A_30 = arith.constant 0 : i32
    %dma_start3A_31 = tpu.memref_slice %arg3[%add3A_20, %dma_start3A_30] : memref<65536x512xf32, #tpu.memory_space<hbm>> -> memref<32x512xf32, #tpu.memory_space<hbm>>
    tpu.enqueue_dma source(%dma_start3A_31 : memref<32x512xf32, #tpu.memory_space<hbm>>) target(%dma_start3A_29 : memref<32x512xf32, #tpu.memory_space<vmem>>) target_semaphore(%arg11 : memref<!tpu.dma_semaphore, #tpu.memory_space<semaphore_mem>>)
    %dma_start3A_32 = arith.constant 32 : i32
    %dma_start3A_33 = arith.constant 0 : i32
    %dma_start3A_34 = tpu.memref_slice %arg7[%dma_start3A_32, %dma_start3A_33] : memref<64x512xf32, #tpu.memory_space<vmem>> -> memref<32x512xf32, #tpu.memory_space<vmem>>
    %dma_start3A_35 = arith.constant 0 : i32
    %dma_start3A_36 = tpu.memref_slice %arg3[%add3A_22, %dma_start3A_35] : memref<65536x512xf32, #tpu.memory_space<hbm>> -> memref<32x512xf32, #tpu.memory_space<hbm>>
    %dma_start3A_37 = arith.constant 32 : i32
    %dma_start3A_38 = arith.constant 0 : i32
    %dma_start3A_39 = tpu.memref_slice %arg7[%dma_start3A_37, %dma_start3A_38] : memref<64x512xf32, #tpu.memory_space<vmem>> -> memref<32x512xf32, #tpu.memory_space<vmem>>
    %dma_start3A_40 = arith.constant 0 : i32
    %dma_start3A_41 = tpu.memref_slice %arg3[%add3A_22, %dma_start3A_40] : memref<65536x512xf32, #tpu.memory_space<hbm>> -> memref<32x512xf32, #tpu.memory_space<hbm>>
    tpu.enqueue_dma source(%dma_start3A_41 : memref<32x512xf32, #tpu.memory_space<hbm>>) target(%dma_start3A_39 : memref<32x512xf32, #tpu.memory_space<vmem>>) target_semaphore(%arg11 : memref<!tpu.dma_semaphore, #tpu.memory_space<semaphore_mem>>)
    %add3A_42 = arith.constant 64 : i32
    %add3A_43 = arith.addi %mul3A_2, %add3A_42 : i32
    %add3A_44 = arith.constant 32 : i32
    %add3A_45 = arith.addi %add3A_43, %add3A_44 : i32
    %dma_start3A_46 = arith.constant 0 : i32
    %dma_start3A_47 = arith.constant 0 : i32
    %dma_start3A_48 = tpu.memref_slice %arg8[%dma_start3A_46, %dma_start3A_47] : memref<64x512xf32, #tpu.memory_space<vmem>> -> memref<32x512xf32, #tpu.memory_space<vmem>>
    %dma_start3A_49 = arith.constant 0 : i32
    %dma_start3A_50 = tpu.memref_slice %arg3[%add3A_43, %dma_start3A_49] : memref<65536x512xf32, #tpu.memory_space<hbm>> -> memref<32x512xf32, #tpu.memory_space<hbm>>
    %dma_start3A_51 = arith.constant 0 : i32
    %dma_start3A_52 = arith.constant 0 : i32
    %dma_start3A_53 = tpu.memref_slice %arg8[%dma_start3A_51, %dma_start3A_52] : memref<64x512xf32, #tpu.memory_space<vmem>> -> memref<32x512xf32, #tpu.memory_space<vmem>>
    %dma_start3A_54 = arith.constant 0 : i32
    %dma_start3A_55 = tpu.memref_slice %arg3[%add3A_43, %dma_start3A_54] : memref<65536x512xf32, #tpu.memory_space<hbm>> -> memref<32x512xf32, #tpu.memory_space<hbm>>
    tpu.enqueue_dma source(%dma_start3A_55 : memref<32x512xf32, #tpu.memory_space<hbm>>) target(%dma_start3A_53 : memref<32x512xf32, #tpu.memory_space<vmem>>) target_semaphore(%arg12 : memref<!tpu.dma_semaphore, #tpu.memory_space<semaphore_mem>>)
    %dma_start3A_56 = arith.constant 32 : i32
    %dma_start3A_57 = arith.constant 0 : i32
    %dma_start3A_58 = tpu.memref_slice %arg8[%dma_start3A_56, %dma_start3A_57] : memref<64x512xf32, #tpu.memory_space<vmem>> -> memref<32x512xf32, #tpu.memory_space<vmem>>
    %dma_start3A_59 = arith.constant 0 : i32
    %dma_start3A_60 = tpu.memref_slice %arg3[%add3A_45, %dma_start3A_59] : memref<65536x512xf32, #tpu.memory_space<hbm>> -> memref<32x512xf32, #tpu.memory_space<hbm>>
    %dma_start3A_61 = arith.constant 32 : i32
    %dma_start3A_62 = arith.constant 0 : i32
    %dma_start3A_63 = tpu.memref_slice %arg8[%dma_start3A_61, %dma_start3A_62] : memref<64x512xf32, #tpu.memory_space<vmem>> -> memref<32x512xf32, #tpu.memory_space<vmem>>
    %dma_start3A_64 = arith.constant 0 : i32
    %dma_start3A_65 = tpu.memref_slice %arg3[%add3A_45, %dma_start3A_64] : memref<65536x512xf32, #tpu.memory_space<hbm>> -> memref<32x512xf32, #tpu.memory_space<hbm>>
    tpu.enqueue_dma source(%dma_start3A_65 : memref<32x512xf32, #tpu.memory_space<hbm>>) target(%dma_start3A_63 : memref<32x512xf32, #tpu.memory_space<vmem>>) target_semaphore(%arg12 : memref<!tpu.dma_semaphore, #tpu.memory_space<semaphore_mem>>)
    %broadcast_in_dim3A_66 = arith.constant 0x7F800000 : f32
    %broadcast_in_dim3A_67 = vector.broadcast %broadcast_in_dim3A_66 : f32 to vector<16xf32>
    %broadcast_in_dim3A_68 = arith.constant 0 : i32
    %broadcast_in_dim3A_69 = vector.broadcast %broadcast_in_dim3A_68 : i32 to vector<16xi32>
    %scan3A = arith.constant 0 : i32
    %scan3A_70 = arith.constant 6 : i32
    %scan3A_71 = arith.addi %scan3A, %scan3A_70 : i32
    %scan3A_72 = arith.constant 1 : i32
    %scan3A_73:6 = scf.for %scan3A_98 = %scan3A to %scan3A_71 step %scan3A_72 iter_args(%scan3A_99 = %broadcast_in_dim3A_67, %scan3A_100 = %broadcast_in_dim3A_67, %scan3A_101 = %broadcast_in_dim3A_67, %scan3A_102 = %broadcast_in_dim3A_69, %scan3A_103 = %broadcast_in_dim3A_69, %scan3A_104 = %broadcast_in_dim3A_69) -> (vector<16xf32>, vector<16xf32>, vector<16xf32>, vector<16xi32>, vector<16xi32>, vector<16xi32>)  : i32 {
      %mul3A_105 = arith.constant 2 : i32
      %mul3A_106 = arith.muli %scan3A_98, %mul3A_105 : i32
      %add3A_107 = arith.constant 0 : i32
      %add3A_108 = arith.addi %mul3A_106, %add3A_107 : i32
      %mul3A_109 = arith.constant 64 : i32
      %mul3A_110 = arith.muli %add3A_108, %mul3A_109 : i32
      %add3A_111 = arith.addi %mul3A_2, %mul3A_110 : i32
      %add3A_112 = arith.constant 32 : i32
      %add3A_113 = arith.addi %add3A_111, %add3A_112 : i32
      %dma_wait3A = arith.constant 0 : i32
      %dma_wait3A_114 = arith.constant 0 : i32
      %dma_wait3A_115 = tpu.memref_slice %arg7[%dma_wait3A, %dma_wait3A_114] : memref<64x512xf32, #tpu.memory_space<vmem>> -> memref<32x512xf32, #tpu.memory_space<vmem>>
      %dma_wait3A_116 = arith.constant 0 : i32
      %dma_wait3A_117 = tpu.memref_slice %arg3[%add3A_111, %dma_wait3A_116] : memref<65536x512xf32, #tpu.memory_space<hbm>> -> memref<32x512xf32, #tpu.memory_space<hbm>>
      %dma_wait3A_118 = arith.constant 0 : i32
      %dma_wait3A_119 = arith.constant 0 : i32
      %dma_wait3A_120 = tpu.memref_slice %arg7[%dma_wait3A_118, %dma_wait3A_119] : memref<64x512xf32, #tpu.memory_space<vmem>> -> memref<32x512xf32, #tpu.memory_space<vmem>>
      %dma_wait3A_121 = arith.constant 0 : i32
      %dma_wait3A_122 = tpu.memref_slice %arg3[%add3A_111, %dma_wait3A_121] : memref<65536x512xf32, #tpu.memory_space<hbm>> -> memref<32x512xf32, #tpu.memory_space<hbm>>
      tpu.wait_dma2 semaphore(%arg11 : memref<!tpu.dma_semaphore, #tpu.memory_space<semaphore_mem>>) src(%dma_wait3A_122 : memref<32x512xf32, #tpu.memory_space<hbm>>) dst(%dma_wait3A_120 : memref<32x512xf32, #tpu.memory_space<vmem>>)
      %dma_wait3A_123 = arith.constant 32 : i32
      %dma_wait3A_124 = arith.constant 0 : i32
      %dma_wait3A_125 = tpu.memref_slice %arg7[%dma_wait3A_123, %dma_wait3A_124] : memref<64x512xf32, #tpu.memory_space<vmem>> -> memref<32x512xf32, #tpu.memory_space<vmem>>
      %dma_wait3A_126 = arith.constant 0 : i32
      %dma_wait3A_127 = tpu.memref_slice %arg3[%add3A_113, %dma_wait3A_126] : memref<65536x512xf32, #tpu.memory_space<hbm>> -> memref<32x512xf32, #tpu.memory_space<hbm>>
      %dma_wait3A_128 = arith.constant 32 : i32
      %dma_wait3A_129 = arith.constant 0 : i32
      %dma_wait3A_130 = tpu.memref_slice %arg7[%dma_wait3A_128, %dma_wait3A_129] : memref<64x512xf32, #tpu.memory_space<vmem>> -> memref<32x512xf32, #tpu.memory_space<vmem>>
      %dma_wait3A_131 = arith.constant 0 : i32
      %dma_wait3A_132 = tpu.memref_slice %arg3[%add3A_113, %dma_wait3A_131] : memref<65536x512xf32, #tpu.memory_space<hbm>> -> memref<32x512xf32, #tpu.memory_space<hbm>>
      tpu.wait_dma2 semaphore(%arg11 : memref<!tpu.dma_semaphore, #tpu.memory_space<semaphore_mem>>) src(%dma_wait3A_132 : memref<32x512xf32, #tpu.memory_space<hbm>>) dst(%dma_wait3A_130 : memref<32x512xf32, #tpu.memory_space<vmem>>)
      %scan3A_133 = arith.constant 0 : i32
      %scan3A_134 = arith.constant 64 : i32
      %scan3A_135 = arith.addi %scan3A_133, %scan3A_134 : i32
      %scan3A_136 = arith.constant 1 : i32
      %scan3A_137:8 = scf.for %scan3A_348 = %scan3A_133 to %scan3A_135 step %scan3A_136 iter_args(%scan3A_349 = %broadcast_in_dim3A_3, %scan3A_350 = %broadcast_in_dim3A_3, %scan3A_351 = %broadcast_in_dim3A_3, %scan3A_352 = %broadcast_in_dim3A_3, %scan3A_353 = %broadcast_in_dim3A_3, %scan3A_354 = %broadcast_in_dim3A_3, %scan3A_355 = %broadcast_in_dim3A_3, %scan3A_356 = %broadcast_in_dim3A_3) -> (vector<16xf32>, vector<16xf32>, vector<16xf32>, vector<16xf32>, vector<16xf32>, vector<16xf32>, vector<16xf32>, vector<16xf32>)  : i32 {
        %mul3A_357 = arith.constant 8 : i32
        %mul3A_358 = arith.muli %scan3A_348, %mul3A_357 : i32
        %add3A_359 = arith.constant 0 : i32
        %add3A_360 = arith.addi %mul3A_358, %add3A_359 : i32
        %broadcast_in_dim3A_361 = vector.broadcast %add3A_360 : i32 to vector<16xi32>
        %add3A_362 = arith.addi %broadcast_in_dim3A_361, %mul3A_6 : vector<16xi32>
        %and3A = arith.constant 511 : i32
        %and3A_363 = vector.broadcast %and3A : i32 to vector<16xi32>
        %and3A_364 = arith.andi %add3A_362, %and3A_363 : vector<16xi32>
        %gather3A = tpu.vector_load_idx %arg6[%and3A_364] : memref<512xf32, #tpu.memory_space<vmem>>[vector<16xi32>], vector<16xf32>,
        %gather3A_365 = tpu.vector_load_idx %arg7[%add3A_9, %and3A_364] : memref<64x512xf32, #tpu.memory_space<vmem>>[vector<16xi32>, vector<16xi32>], vector<16xf32>,
        %sub3A = arith.subf %gather3A_365, %gather3A : vector<16xf32>
        %mul3A_366 = arith.mulf %sub3A, %sub3A : vector<16xf32>
        %add3A_367 = arith.addf %scan3A_349, %mul3A_366 : vector<16xf32>
        %gather3A_368 = tpu.vector_load_idx %arg7[%add3A_12, %and3A_364] : memref<64x512xf32, #tpu.memory_space<vmem>>[vector<16xi32>, vector<16xi32>], vector<16xf32>,
        %sub3A_369 = arith.subf %gather3A_368, %gather3A : vector<16xf32>
        %mul3A_370 = arith.mulf %sub3A_369, %sub3A_369 : vector<16xf32>
        %add3A_371 = arith.addf %scan3A_351, %mul3A_370 : vector<16xf32>
        %gather3A_372 = tpu.vector_load_idx %arg7[%add3A_15, %and3A_364] : memref<64x512xf32, #tpu.memory_space<vmem>>[vector<16xi32>, vector<16xi32>], vector<16xf32>,
        %sub3A_373 = arith.subf %gather3A_372, %gather3A : vector<16xf32>
        %mul3A_374 = arith.mulf %sub3A_373, %sub3A_373 : vector<16xf32>
        %add3A_375 = arith.addf %scan3A_353, %mul3A_374 : vector<16xf32>
        %gather3A_376 = tpu.vector_load_idx %arg7[%add3A_18, %and3A_364] : memref<64x512xf32, #tpu.memory_space<vmem>>[vector<16xi32>, vector<16xi32>], vector<16xf32>,
        %sub3A_377 = arith.subf %gather3A_376, %gather3A : vector<16xf32>
        %mul3A_378 = arith.mulf %sub3A_377, %sub3A_377 : vector<16xf32>
        %add3A_379 = arith.addf %scan3A_355, %mul3A_378 : vector<16xf32>
        %mul3A_380 = arith.constant 8 : i32
        %mul3A_381 = arith.muli %scan3A_348, %mul3A_380 : i32
        %add3A_382 = arith.constant 1 : i32
        %add3A_383 = arith.addi %mul3A_381, %add3A_382 : i32
        %broadcast_in_dim3A_384 = vector.broadcast %add3A_383 : i32 to vector<16xi32>
        %add3A_385 = arith.addi %broadcast_in_dim3A_384, %mul3A_6 : vector<16xi32>
        %and3A_386 = arith.constant 511 : i32
        %and3A_387 = vector.broadcast %and3A_386 : i32 to vector<16xi32>
        %and3A_388 = arith.andi %add3A_385, %and3A_387 : vector<16xi32>
        %gather3A_389 = tpu.vector_load_idx %arg6[%and3A_388] : memref<512xf32, #tpu.memory_space<vmem>>[vector<16xi32>], vector<16xf32>,
        %gather3A_390 = tpu.vector_load_idx %arg7[%add3A_9, %and3A_388] : memref<64x512xf32, #tpu.memory_space<vmem>>[vector<16xi32>, vector<16xi32>], vector<16xf32>,
        %sub3A_391 = arith.subf %gather3A_390, %gather3A_389 : vector<16xf32>
        %mul3A_392 = arith.mulf %sub3A_391, %sub3A_391 : vector<16xf32>
        %add3A_393 = arith.addf %scan3A_350, %mul3A_392 : vector<16xf32>
        %gather3A_394 = tpu.vector_load_idx %arg7[%add3A_12, %and3A_388] : memref<64x512xf32, #tpu.memory_space<vmem>>[vector<16xi32>, vector<16xi32>], vector<16xf32>,
        %sub3A_395 = arith.subf %gather3A_394, %gather3A_389 : vector<16xf32>
        %mul3A_396 = arith.mulf %sub3A_395, %sub3A_395 : vector<16xf32>
        %add3A_397 = arith.addf %scan3A_352, %mul3A_396 : vector<16xf32>
        %gather3A_398 = tpu.vector_load_idx %arg7[%add3A_15, %and3A_388] : memref<64x512xf32, #tpu.memory_space<vmem>>[vector<16xi32>, vector<16xi32>], vector<16xf32>,
        %sub3A_399 = arith.subf %gather3A_398, %gather3A_389 : vector<16xf32>
        %mul3A_400 = arith.mulf %sub3A_399, %sub3A_399 : vector<16xf32>
        %add3A_401 = arith.addf %scan3A_354, %mul3A_400 : vector<16xf32>
        %gather3A_402 = tpu.vector_load_idx %arg7[%add3A_18, %and3A_388] : memref<64x512xf32, #tpu.memory_space<vmem>>[vector<16xi32>, vector<16xi32>], vector<16xf32>,
        %sub3A_403 = arith.subf %gather3A_402, %gather3A_389 : vector<16xf32>
        %mul3A_404 = arith.mulf %sub3A_403, %sub3A_403 : vector<16xf32>
        %add3A_405 = arith.addf %scan3A_356, %mul3A_404 : vector<16xf32>
        %mul3A_406 = arith.constant 8 : i32
        %mul3A_407 = arith.muli %scan3A_348, %mul3A_406 : i32
        %add3A_408 = arith.constant 2 : i32
        %add3A_409 = arith.addi %mul3A_407, %add3A_408 : i32
        %broadcast_in_dim3A_410 = vector.broadcast %add3A_409 : i32 to vector<16xi32>
        %add3A_411 = arith.addi %broadcast_in_dim3A_410, %mul3A_6 : vector<16xi32>
        %and3A_412 = arith.constant 511 : i32
        %and3A_413 = vector.broadcast %and3A_412 : i32 to vector<16xi32>
        %and3A_414 = arith.andi %add3A_411, %and3A_413 : vector<16xi32>
        %gather3A_415 = tpu.vector_load_idx %arg6[%and3A_414] : memref<512xf32, #tpu.memory_space<vmem>>[vector<16xi32>], vector<16xf32>,
        %gather3A_416 = tpu.vector_load_idx %arg7[%add3A_9, %and3A_414] : memref<64x512xf32, #tpu.memory_space<vmem>>[vector<16xi32>, vector<16xi32>], vector<16xf32>,
        %sub3A_417 = arith.subf %gather3A_416, %gather3A_415 : vector<16xf32>
        %mul3A_418 = arith.mulf %sub3A_417, %sub3A_417 : vector<16xf32>
        %add3A_419 = arith.addf %add3A_367, %mul3A_418 : vector<16xf32>
        %gather3A_420 = tpu.vector_load_idx %arg7[%add3A_12, %and3A_414] : memref<64x512xf32, #tpu.memory_space<vmem>>[vector<16xi32>, vector<16xi32>], vector<16xf32>,
        %sub3A_421 = arith.subf %gather3A_420, %gather3A_415 : vector<16xf32>
        %mul3A_422 = arith.mulf %sub3A_421, %sub3A_421 : vector<16xf32>
        %add3A_423 = arith.addf %add3A_371, %mul3A_422 : vector<16xf32>
        %gather3A_424 = tpu.vector_load_idx %arg7[%add3A_15, %and3A_414] : memref<64x512xf32, #tpu.memory_space<vmem>>[vector<16xi32>, vector<16xi32>], vector<16xf32>,
        %sub3A_425 = arith.subf %gather3A_424, %gather3A_415 : vector<16xf32>
        %mul3A_426 = arith.mulf %sub3A_425, %sub3A_425 : vector<16xf32>
        %add3A_427 = arith.addf %add3A_375, %mul3A_426 : vector<16xf32>
        %gather3A_428 = tpu.vector_load_idx %arg7[%add3A_18, %and3A_414] : memref<64x512xf32, #tpu.memory_space<vmem>>[vector<16xi32>, vector<16xi32>], vector<16xf32>,
        %sub3A_429 = arith.subf %gather3A_428, %gather3A_415 : vector<16xf32>
        %mul3A_430 = arith.mulf %sub3A_429, %sub3A_429 : vector<16xf32>
        %add3A_431 = arith.addf %add3A_379, %mul3A_430 : vector<16xf32>
        %mul3A_432 = arith.constant 8 : i32
        %mul3A_433 = arith.muli %scan3A_348, %mul3A_432 : i32
        %add3A_434 = arith.constant 3 : i32
        %add3A_435 = arith.addi %mul3A_433, %add3A_434 : i32
        %broadcast_in_dim3A_436 = vector.broadcast %add3A_435 : i32 to vector<16xi32>
        %add3A_437 = arith.addi %broadcast_in_dim3A_436, %mul3A_6 : vector<16xi32>
        %and3A_438 = arith.constant 511 : i32
        %and3A_439 = vector.broadcast %and3A_438 : i32 to vector<16xi32>
        %and3A_440 = arith.andi %add3A_437, %and3A_439 : vector<16xi32>
        %gather3A_441 = tpu.vector_load_idx %arg6[%and3A_440] : memref<512xf32, #tpu.memory_space<vmem>>[vector<16xi32>], vector<16xf32>,
        %gather3A_442 = tpu.vector_load_idx %arg7[%add3A_9, %and3A_440] : memref<64x512xf32, #tpu.memory_space<vmem>>[vector<16xi32>, vector<16xi32>], vector<16xf32>,
        %sub3A_443 = arith.subf %gather3A_442, %gather3A_441 : vector<16xf32>
        %mul3A_444 = arith.mulf %sub3A_443, %sub3A_443 : vector<16xf32>
        %add3A_445 = arith.addf %add3A_393, %mul3A_444 : vector<16xf32>
        %gather3A_446 = tpu.vector_load_idx %arg7[%add3A_12, %and3A_440] : memref<64x512xf32, #tpu.memory_space<vmem>>[vector<16xi32>, vector<16xi32>], vector<16xf32>,
        %sub3A_447 = arith.subf %gather3A_446, %gather3A_441 : vector<16xf32>
        %mul3A_448 = arith.mulf %sub3A_447, %sub3A_447 : vector<16xf32>
        %add3A_449 = arith.addf %add3A_397, %mul3A_448 : vector<16xf32>
        %gather3A_450 = tpu.vector_load_idx %arg7[%add3A_15, %and3A_440] : memref<64x512xf32, #tpu.memory_space<vmem>>[vector<16xi32>, vector<16xi32>], vector<16xf32>,
        %sub3A_451 = arith.subf %gather3A_450, %gather3A_441 : vector<16xf32>
        %mul3A_452 = arith.mulf %sub3A_451, %sub3A_451 : vector<16xf32>
        %add3A_453 = arith.addf %add3A_401, %mul3A_452 : vector<16xf32>
        %gather3A_454 = tpu.vector_load_idx %arg7[%add3A_18, %and3A_440] : memref<64x512xf32, #tpu.memory_space<vmem>>[vector<16xi32>, vector<16xi32>], vector<16xf32>,
        %sub3A_455 = arith.subf %gather3A_454, %gather3A_441 : vector<16xf32>
        %mul3A_456 = arith.mulf %sub3A_455, %sub3A_455 : vector<16xf32>
        %add3A_457 = arith.addf %add3A_405, %mul3A_456 : vector<16xf32>
        %mul3A_458 = arith.constant 8 : i32
        %mul3A_459 = arith.muli %scan3A_348, %mul3A_458 : i32
        %add3A_460 = arith.constant 4 : i32
        %add3A_461 = arith.addi %mul3A_459, %add3A_460 : i32
        %broadcast_in_dim3A_462 = vector.broadcast %add3A_461 : i32 to vector<16xi32>
        %add3A_463 = arith.addi %broadcast_in_dim3A_462, %mul3A_6 : vector<16xi32>
        %and3A_464 = arith.constant 511 : i32
        %and3A_465 = vector.broadcast %and3A_464 : i32 to vector<16xi32>
        %and3A_466 = arith.andi %add3A_463, %and3A_465 : vector<16xi32>
        %gather3A_467 = tpu.vector_load_idx %arg6[%and3A_466] : memref<512xf32, #tpu.memory_space<vmem>>[vector<16xi32>], vector<16xf32>,
        %gather3A_468 = tpu.vector_load_idx %arg7[%add3A_9, %and3A_466] : memref<64x512xf32, #tpu.memory_space<vmem>>[vector<16xi32>, vector<16xi32>], vector<16xf32>,
        %sub3A_469 = arith.subf %gather3A_468, %gather3A_467 : vector<16xf32>
        %mul3A_470 = arith.mulf %sub3A_469, %sub3A_469 : vector<16xf32>
        %add3A_471 = arith.addf %add3A_419, %mul3A_470 : vector<16xf32>
        %gather3A_472 = tpu.vector_load_idx %arg7[%add3A_12, %and3A_466] : memref<64x512xf32, #tpu.memory_space<vmem>>[vector<16xi32>, vector<16xi32>], vector<16xf32>,
        %sub3A_473 = arith.subf %gather3A_472, %gather3A_467 : vector<16xf32>
        %mul3A_474 = arith.mulf %sub3A_473, %sub3A_473 : vector<16xf32>
        %add3A_475 = arith.addf %add3A_423, %mul3A_474 : vector<16xf32>
        %gather3A_476 = tpu.vector_load_idx %arg7[%add3A_15, %and3A_466] : memref<64x512xf32, #tpu.memory_space<vmem>>[vector<16xi32>, vector<16xi32>], vector<16xf32>,
        %sub3A_477 = arith.subf %gather3A_476, %gather3A_467 : vector<16xf32>
        %mul3A_478 = arith.mulf %sub3A_477, %sub3A_477 : vector<16xf32>
        %add3A_479 = arith.addf %add3A_427, %mul3A_478 : vector<16xf32>
        %gather3A_480 = tpu.vector_load_idx %arg7[%add3A_18, %and3A_466] : memref<64x512xf32, #tpu.memory_space<vmem>>[vector<16xi32>, vector<16xi32>], vector<16xf32>,
        %sub3A_481 = arith.subf %gather3A_480, %gather3A_467 : vector<16xf32>
        %mul3A_482 = arith.mulf %sub3A_481, %sub3A_481 : vector<16xf32>
        %add3A_483 = arith.addf %add3A_431, %mul3A_482 : vector<16xf32>
        %mul3A_484 = arith.constant 8 : i32
        %mul3A_485 = arith.muli %scan3A_348, %mul3A_484 : i32
        %add3A_486 = arith.constant 5 : i32
        %add3A_487 = arith.addi %mul3A_485, %add3A_486 : i32
        %broadcast_in_dim3A_488 = vector.broadcast %add3A_487 : i32 to vector<16xi32>
        %add3A_489 = arith.addi %broadcast_in_dim3A_488, %mul3A_6 : vector<16xi32>
        %and3A_490 = arith.constant 511 : i32
        %and3A_491 = vector.broadcast %and3A_490 : i32 to vector<16xi32>
        %and3A_492 = arith.andi %add3A_489, %and3A_491 : vector<16xi32>
        %gather3A_493 = tpu.vector_load_idx %arg6[%and3A_492] : memref<512xf32, #tpu.memory_space<vmem>>[vector<16xi32>], vector<16xf32>,
        %gather3A_494 = tpu.vector_load_idx %arg7[%add3A_9, %and3A_492] : memref<64x512xf32, #tpu.memory_space<vmem>>[vector<16xi32>, vector<16xi32>], vector<16xf32>,
        %sub3A_495 = arith.subf %gather3A_494, %gather3A_493 : vector<16xf32>
        %mul3A_496 = arith.mulf %sub3A_495, %sub3A_495 : vector<16xf32>
        %add3A_497 = arith.addf %add3A_445, %mul3A_496 : vector<16xf32>
        %gather3A_498 = tpu.vector_load_idx %arg7[%add3A_12, %and3A_492] : memref<64x512xf32, #tpu.memory_space<vmem>>[vector<16xi32>, vector<16xi32>], vector<16xf32>,
        %sub3A_499 = arith.subf %gather3A_498, %gather3A_493 : vector<16xf32>
        %mul3A_500 = arith.mulf %sub3A_499, %sub3A_499 : vector<16xf32>
        %add3A_501 = arith.addf %add3A_449, %mul3A_500 : vector<16xf32>
        %gather3A_502 = tpu.vector_load_idx %arg7[%add3A_15, %and3A_492] : memref<64x512xf32, #tpu.memory_space<vmem>>[vector<16xi32>, vector<16xi32>], vector<16xf32>,
        %sub3A_503 = arith.subf %gather3A_502, %gather3A_493 : vector<16xf32>
        %mul3A_504 = arith.mulf %sub3A_503, %sub3A_503 : vector<16xf32>
        %add3A_505 = arith.addf %add3A_453, %mul3A_504 : vector<16xf32>
        %gather3A_506 = tpu.vector_load_idx %arg7[%add3A_18, %and3A_492] : memref<64x512xf32, #tpu.memory_space<vmem>>[vector<16xi32>, vector<16xi32>], vector<16xf32>,
        %sub3A_507 = arith.subf %gather3A_506, %gather3A_493 : vector<16xf32>
        %mul3A_508 = arith.mulf %sub3A_507, %sub3A_507 : vector<16xf32>
        %add3A_509 = arith.addf %add3A_457, %mul3A_508 : vector<16xf32>
        %mul3A_510 = arith.constant 8 : i32
        %mul3A_511 = arith.muli %scan3A_348, %mul3A_510 : i32
        %add3A_512 = arith.constant 6 : i32
        %add3A_513 = arith.addi %mul3A_511, %add3A_512 : i32
        %broadcast_in_dim3A_514 = vector.broadcast %add3A_513 : i32 to vector<16xi32>
        %add3A_515 = arith.addi %broadcast_in_dim3A_514, %mul3A_6 : vector<16xi32>
        %and3A_516 = arith.constant 511 : i32
        %and3A_517 = vector.broadcast %and3A_516 : i32 to vector<16xi32>
        %and3A_518 = arith.andi %add3A_515, %and3A_517 : vector<16xi32>
        %gather3A_519 = tpu.vector_load_idx %arg6[%and3A_518] : memref<512xf32, #tpu.memory_space<vmem>>[vector<16xi32>], vector<16xf32>,
        %gather3A_520 = tpu.vector_load_idx %arg7[%add3A_9, %and3A_518] : memref<64x512xf32, #tpu.memory_space<vmem>>[vector<16xi32>, vector<16xi32>], vector<16xf32>,
        %sub3A_521 = arith.subf %gather3A_520, %gather3A_519 : vector<16xf32>
        %mul3A_522 = arith.mulf %sub3A_521, %sub3A_521 : vector<16xf32>
        %add3A_523 = arith.addf %add3A_471, %mul3A_522 : vector<16xf32>
        %gather3A_524 = tpu.vector_load_idx %arg7[%add3A_12, %and3A_518] : memref<64x512xf32, #tpu.memory_space<vmem>>[vector<16xi32>, vector<16xi32>], vector<16xf32>,
        %sub3A_525 = arith.subf %gather3A_524, %gather3A_519 : vector<16xf32>
        %mul3A_526 = arith.mulf %sub3A_525, %sub3A_525 : vector<16xf32>
        %add3A_527 = arith.addf %add3A_475, %mul3A_526 : vector<16xf32>
        %gather3A_528 = tpu.vector_load_idx %arg7[%add3A_15, %and3A_518] : memref<64x512xf32, #tpu.memory_space<vmem>>[vector<16xi32>, vector<16xi32>], vector<16xf32>,
        %sub3A_529 = arith.subf %gather3A_528, %gather3A_519 : vector<16xf32>
        %mul3A_530 = arith.mulf %sub3A_529, %sub3A_529 : vector<16xf32>
        %add3A_531 = arith.addf %add3A_479, %mul3A_530 : vector<16xf32>
        %gather3A_532 = tpu.vector_load_idx %arg7[%add3A_18, %and3A_518] : memref<64x512xf32, #tpu.memory_space<vmem>>[vector<16xi32>, vector<16xi32>], vector<16xf32>,
        %sub3A_533 = arith.subf %gather3A_532, %gather3A_519 : vector<16xf32>
        %mul3A_534 = arith.mulf %sub3A_533, %sub3A_533 : vector<16xf32>
        %add3A_535 = arith.addf %add3A_483, %mul3A_534 : vector<16xf32>
        %mul3A_536 = arith.constant 8 : i32
        %mul3A_537 = arith.muli %scan3A_348, %mul3A_536 : i32
        %add3A_538 = arith.constant 7 : i32
        %add3A_539 = arith.addi %mul3A_537, %add3A_538 : i32
        %broadcast_in_dim3A_540 = vector.broadcast %add3A_539 : i32 to vector<16xi32>
        %add3A_541 = arith.addi %broadcast_in_dim3A_540, %mul3A_6 : vector<16xi32>
        %and3A_542 = arith.constant 511 : i32
        %and3A_543 = vector.broadcast %and3A_542 : i32 to vector<16xi32>
        %and3A_544 = arith.andi %add3A_541, %and3A_543 : vector<16xi32>
        %gather3A_545 = tpu.vector_load_idx %arg6[%and3A_544] : memref<512xf32, #tpu.memory_space<vmem>>[vector<16xi32>], vector<16xf32>,
        %gather3A_546 = tpu.vector_load_idx %arg7[%add3A_9, %and3A_544] : memref<64x512xf32, #tpu.memory_space<vmem>>[vector<16xi32>, vector<16xi32>], vector<16xf32>,
        %sub3A_547 = arith.subf %gather3A_546, %gather3A_545 : vector<16xf32>
        %mul3A_548 = arith.mulf %sub3A_547, %sub3A_547 : vector<16xf32>
        %add3A_549 = arith.addf %add3A_497, %mul3A_548 : vector<16xf32>
        %gather3A_550 = tpu.vector_load_idx %arg7[%add3A_12, %and3A_544] : memref<64x512xf32, #tpu.memory_space<vmem>>[vector<16xi32>, vector<16xi32>], vector<16xf32>,
        %sub3A_551 = arith.subf %gather3A_550, %gather3A_545 : vector<16xf32>
        %mul3A_552 = arith.mulf %sub3A_551, %sub3A_551 : vector<16xf32>
        %add3A_553 = arith.addf %add3A_501, %mul3A_552 : vector<16xf32>
        %gather3A_554 = tpu.vector_load_idx %arg7[%add3A_15, %and3A_544] : memref<64x512xf32, #tpu.memory_space<vmem>>[vector<16xi32>, vector<16xi32>], vector<16xf32>,
        %sub3A_555 = arith.subf %gather3A_554, %gather3A_545 : vector<16xf32>
        %mul3A_556 = arith.mulf %sub3A_555, %sub3A_555 : vector<16xf32>
        %add3A_557 = arith.addf %add3A_505, %mul3A_556 : vector<16xf32>
        %gather3A_558 = tpu.vector_load_idx %arg7[%add3A_18, %and3A_544] : memref<64x512xf32, #tpu.memory_space<vmem>>[vector<16xi32>, vector<16xi32>], vector<16xf32>,
        %sub3A_559 = arith.subf %gather3A_558, %gather3A_545 : vector<16xf32>
        %mul3A_560 = arith.mulf %sub3A_559, %sub3A_559 : vector<16xf32>
        %add3A_561 = arith.addf %add3A_509, %mul3A_560 : vector<16xf32>
        scf.yield %add3A_523, %add3A_549, %add3A_527, %add3A_553, %add3A_531, %add3A_557, %add3A_535, %add3A_561 : vector<16xf32>, vector<16xf32>, vector<16xf32>, vector<16xf32>, vector<16xf32>, vector<16xf32>, vector<16xf32>, vector<16xf32>
      }
      %scan3A_138 = arith.constant 64 : i32
      %add3A_139 = arith.addf %scan3A_137#0, %scan3A_137#1 : vector<16xf32>
      %mul3A_140 = arith.constant 64 : i32
      %mul3A_141 = arith.muli %add3A_108, %mul3A_140 : i32
      %add3A_142 = arith.addi %mul3A_2, %mul3A_141 : i32
      %add3A_143 = arith.constant 0 : i32
      %add3A_144 = arith.addi %add3A_142, %add3A_143 : i32
      %broadcast_in_dim3A_145 = vector.broadcast %add3A_144 : i32 to vector<16xi32>
      %add3A_146 = arith.addi %broadcast_in_dim3A_145, %iota3A : vector<16xi32>
      %lt3A = arith.cmpf olt, %add3A_139, %scan3A_99 : vector<16xf32>
      %lt3A_147 = arith.cmpf olt, %add3A_139, %scan3A_100 : vector<16xf32>
      %lt3A_148 = arith.cmpf olt, %add3A_139, %scan3A_101 : vector<16xf32>
      %select_n3A = arith.select %lt3A, %add3A_139, %scan3A_99 : vector<16xi1>, vector<16xf32>
      %select_n3A_149 = arith.select %lt3A, %add3A_146, %scan3A_102 : vector<16xi1>, vector<16xi32>
      %select_n3A_150 = arith.select %lt3A_147, %add3A_139, %scan3A_100 : vector<16xi1>, vector<16xf32>
      %select_n3A_151 = arith.select %lt3A, %scan3A_99, %select_n3A_150 : vector<16xi1>, vector<16xf32>
      %select_n3A_152 = arith.select %lt3A_147, %add3A_146, %scan3A_103 : vector<16xi1>, vector<16xi32>
      %select_n3A_153 = arith.select %lt3A, %scan3A_102, %select_n3A_152 : vector<16xi1>, vector<16xi32>
      %select_n3A_154 = arith.select %lt3A_148, %add3A_139, %scan3A_101 : vector<16xi1>, vector<16xf32>
      %select_n3A_155 = arith.select %lt3A_147, %scan3A_100, %select_n3A_154 : vector<16xi1>, vector<16xf32>
      %select_n3A_156 = arith.select %lt3A_148, %add3A_146, %scan3A_104 : vector<16xi1>, vector<16xi32>
      %select_n3A_157 = arith.select %lt3A_147, %scan3A_103, %select_n3A_156 : vector<16xi1>, vector<16xi32>
      %add3A_158 = arith.addf %scan3A_137#2, %scan3A_137#3 : vector<16xf32>
      %mul3A_159 = arith.constant 64 : i32
      %mul3A_160 = arith.muli %add3A_108, %mul3A_159 : i32
      %add3A_161 = arith.addi %mul3A_2, %mul3A_160 : i32
      %add3A_162 = arith.constant 16 : i32
      %add3A_163 = arith.addi %add3A_161, %add3A_162 : i32
      %broadcast_in_dim3A_164 = vector.broadcast %add3A_163 : i32 to vector<16xi32>
      %add3A_165 = arith.addi %broadcast_in_dim3A_164, %iota3A : vector<16xi32>
      %lt3A_166 = arith.cmpf olt, %add3A_158, %select_n3A : vector<16xf32>
      %lt3A_167 = arith.cmpf olt, %add3A_158, %select_n3A_151 : vector<16xf32>
      %lt3A_168 = arith.cmpf olt, %add3A_158, %select_n3A_155 : vector<16xf32>
      %select_n3A_169 = arith.select %lt3A_166, %add3A_158, %select_n3A : vector<16xi1>, vector<16xf32>
      %select_n3A_170 = arith.select %lt3A_166, %add3A_165, %select_n3A_149 : vector<16xi1>, vector<16xi32>
      %select_n3A_171 = arith.select %lt3A_167, %add3A_158, %select_n3A_151 : vector<16xi1>, vector<16xf32>
      %select_n3A_172 = arith.select %lt3A_166, %select_n3A, %select_n3A_171 : vector<16xi1>, vector<16xf32>
      %select_n3A_173 = arith.select %lt3A_167, %add3A_165, %select_n3A_153 : vector<16xi1>, vector<16xi32>
      %select_n3A_174 = arith.select %lt3A_166, %select_n3A_149, %select_n3A_173 : vector<16xi1>, vector<16xi32>
      %select_n3A_175 = arith.select %lt3A_168, %add3A_158, %select_n3A_155 : vector<16xi1>, vector<16xf32>
      %select_n3A_176 = arith.select %lt3A_167, %select_n3A_151, %select_n3A_175 : vector<16xi1>, vector<16xf32>
      %select_n3A_177 = arith.select %lt3A_168, %add3A_165, %select_n3A_157 : vector<16xi1>, vector<16xi32>
      %select_n3A_178 = arith.select %lt3A_167, %select_n3A_153, %select_n3A_177 : vector<16xi1>, vector<16xi32>
      %add3A_179 = arith.addf %scan3A_137#4, %scan3A_137#5 : vector<16xf32>
      %mul3A_180 = arith.constant 64 : i32
      %mul3A_181 = arith.muli %add3A_108, %mul3A_180 : i32
      %add3A_182 = arith.addi %mul3A_2, %mul3A_181 : i32
      %add3A_183 = arith.constant 32 : i32
      %add3A_184 = arith.addi %add3A_182, %add3A_183 : i32
      %broadcast_in_dim3A_185 = vector.broadcast %add3A_184 : i32 to vector<16xi32>
      %add3A_186 = arith.addi %broadcast_in_dim3A_185, %iota3A : vector<16xi32>
      %lt3A_187 = arith.cmpf olt, %add3A_179, %select_n3A_169 : vector<16xf32>
      %lt3A_188 = arith.cmpf olt, %add3A_179, %select_n3A_172 : vector<16xf32>
      %lt3A_189 = arith.cmpf olt, %add3A_179, %select_n3A_176 : vector<16xf32>
      %select_n3A_190 = arith.select %lt3A_187, %add3A_179, %select_n3A_169 : vector<16xi1>, vector<16xf32>
      %select_n3A_191 = arith.select %lt3A_187, %add3A_186, %select_n3A_170 : vector<16xi1>, vector<16xi32>
      %select_n3A_192 = arith.select %lt3A_188, %add3A_179, %select_n3A_172 : vector<16xi1>, vector<16xf32>
      %select_n3A_193 = arith.select %lt3A_187, %select_n3A_169, %select_n3A_192 : vector<16xi1>, vector<16xf32>
      %select_n3A_194 = arith.select %lt3A_188, %add3A_186, %select_n3A_174 : vector<16xi1>, vector<16xi32>
      %select_n3A_195 = arith.select %lt3A_187, %select_n3A_170, %select_n3A_194 : vector<16xi1>, vector<16xi32>
      %select_n3A_196 = arith.select %lt3A_189, %add3A_179, %select_n3A_176 : vector<16xi1>, vector<16xf32>
      %select_n3A_197 = arith.select %lt3A_188, %select_n3A_172, %select_n3A_196 : vector<16xi1>, vector<16xf32>
      %select_n3A_198 = arith.select %lt3A_189, %add3A_186, %select_n3A_178 : vector<16xi1>, vector<16xi32>
      %select_n3A_199 = arith.select %lt3A_188, %select_n3A_174, %select_n3A_198 : vector<16xi1>, vector<16xi32>
      %add3A_200 = arith.addf %scan3A_137#6, %scan3A_137#7 : vector<16xf32>
      %mul3A_201 = arith.constant 64 : i32
      %mul3A_202 = arith.muli %add3A_108, %mul3A_201 : i32
      %add3A_203 = arith.addi %mul3A_2, %mul3A_202 : i32
      %add3A_204 = arith.constant 48 : i32
      %add3A_205 = arith.addi %add3A_203, %add3A_204 : i32
      %broadcast_in_dim3A_206 = vector.broadcast %add3A_205 : i32 to vector<16xi32>
      %add3A_207 = arith.addi %broadcast_in_dim3A_206, %iota3A : vector<16xi32>
      %lt3A_208 = arith.cmpf olt, %add3A_200, %select_n3A_190 : vector<16xf32>
      %lt3A_209 = arith.cmpf olt, %add3A_200, %select_n3A_193 : vector<16xf32>
      %lt3A_210 = arith.cmpf olt, %add3A_200, %select_n3A_197 : vector<16xf32>
      %select_n3A_211 = arith.select %lt3A_208, %add3A_200, %select_n3A_190 : vector<16xi1>, vector<16xf32>
      %select_n3A_212 = arith.select %lt3A_208, %add3A_207, %select_n3A_191 : vector<16xi1>, vector<16xi32>
      %select_n3A_213 = arith.select %lt3A_209, %add3A_200, %select_n3A_193 : vector<16xi1>, vector<16xf32>
      %select_n3A_214 = arith.select %lt3A_208, %select_n3A_190, %select_n3A_213 : vector<16xi1>, vector<16xf32>
      %select_n3A_215 = arith.select %lt3A_209, %add3A_207, %select_n3A_195 : vector<16xi1>, vector<16xi32>
      %select_n3A_216 = arith.select %lt3A_208, %select_n3A_191, %select_n3A_215 : vector<16xi1>, vector<16xi32>
      %select_n3A_217 = arith.select %lt3A_210, %add3A_200, %select_n3A_197 : vector<16xi1>, vector<16xf32>
      %select_n3A_218 = arith.select %lt3A_209, %select_n3A_193, %select_n3A_217 : vector<16xi1>, vector<16xf32>
      %select_n3A_219 = arith.select %lt3A_210, %add3A_207, %select_n3A_199 : vector<16xi1>, vector<16xi32>
      %select_n3A_220 = arith.select %lt3A_209, %select_n3A_195, %select_n3A_219 : vector<16xi1>, vector<16xi32>
      %lt3A_221 = arith.constant 5 : i32
      %lt3A_222 = arith.cmpi slt, %scan3A_98, %lt3A_221 : i32
      %convert_element_type3A = arith.extui %lt3A_222 : i1 to i32
      %cond3A = arith.constant 0 : i32
      %cond3A_223 = arith.cmpi ne, %convert_element_type3A, %cond3A : i32
      scf.if %cond3A_223 {
        %add3A_348 = arith.constant 2 : i32
        %add3A_349 = arith.addi %add3A_108, %add3A_348 : i32
        %mul3A_350 = arith.constant 64 : i32
        %mul3A_351 = arith.muli %add3A_349, %mul3A_350 : i32
        %add3A_352 = arith.addi %mul3A_2, %mul3A_351 : i32
        %add3A_353 = arith.constant 32 : i32
        %add3A_354 = arith.addi %add3A_352, %add3A_353 : i32
        %dma_start3A_355 = arith.constant 0 : i32
        %dma_start3A_356 = arith.constant 0 : i32
        %dma_start3A_357 = tpu.memref_slice %arg7[%dma_start3A_355, %dma_start3A_356] : memref<64x512xf32, #tpu.memory_space<vmem>> -> memref<32x512xf32, #tpu.memory_space<vmem>>
        %dma_start3A_358 = arith.constant 0 : i32
        %dma_start3A_359 = tpu.memref_slice %arg3[%add3A_352, %dma_start3A_358] : memref<65536x512xf32, #tpu.memory_space<hbm>> -> memref<32x512xf32, #tpu.memory_space<hbm>>
        %dma_start3A_360 = arith.constant 0 : i32
        %dma_start3A_361 = arith.constant 0 : i32
        %dma_start3A_362 = tpu.memref_slice %arg7[%dma_start3A_360, %dma_start3A_361] : memref<64x512xf32, #tpu.memory_space<vmem>> -> memref<32x512xf32, #tpu.memory_space<vmem>>
        %dma_start3A_363 = arith.constant 0 : i32
        %dma_start3A_364 = tpu.memref_slice %arg3[%add3A_352, %dma_start3A_363] : memref<65536x512xf32, #tpu.memory_space<hbm>> -> memref<32x512xf32, #tpu.memory_space<hbm>>
        tpu.enqueue_dma source(%dma_start3A_364 : memref<32x512xf32, #tpu.memory_space<hbm>>) target(%dma_start3A_362 : memref<32x512xf32, #tpu.memory_space<vmem>>) target_semaphore(%arg11 : memref<!tpu.dma_semaphore, #tpu.memory_space<semaphore_mem>>)
        %dma_start3A_365 = arith.constant 32 : i32
        %dma_start3A_366 = arith.constant 0 : i32
        %dma_start3A_367 = tpu.memref_slice %arg7[%dma_start3A_365, %dma_start3A_366] : memref<64x512xf32, #tpu.memory_space<vmem>> -> memref<32x512xf32, #tpu.memory_space<vmem>>
        %dma_start3A_368 = arith.constant 0 : i32
        %dma_start3A_369 = tpu.memref_slice %arg3[%add3A_354, %dma_start3A_368] : memref<65536x512xf32, #tpu.memory_space<hbm>> -> memref<32x512xf32, #tpu.memory_space<hbm>>
        %dma_start3A_370 = arith.constant 32 : i32
        %dma_start3A_371 = arith.constant 0 : i32
        %dma_start3A_372 = tpu.memref_slice %arg7[%dma_start3A_370, %dma_start3A_371] : memref<64x512xf32, #tpu.memory_space<vmem>> -> memref<32x512xf32, #tpu.memory_space<vmem>>
        %dma_start3A_373 = arith.constant 0 : i32
        %dma_start3A_374 = tpu.memref_slice %arg3[%add3A_354, %dma_start3A_373] : memref<65536x512xf32, #tpu.memory_space<hbm>> -> memref<32x512xf32, #tpu.memory_space<hbm>>
        tpu.enqueue_dma source(%dma_start3A_374 : memref<32x512xf32, #tpu.memory_space<hbm>>) target(%dma_start3A_372 : memref<32x512xf32, #tpu.memory_space<vmem>>) target_semaphore(%arg11 : memref<!tpu.dma_semaphore, #tpu.memory_space<semaphore_mem>>)
      } else {
      }
      %mul3A_224 = arith.constant 2 : i32
      %mul3A_225 = arith.muli %scan3A_98, %mul3A_224 : i32
      %add3A_226 = arith.constant 1 : i32
      %add3A_227 = arith.addi %mul3A_225, %add3A_226 : i32
      %mul3A_228 = arith.constant 64 : i32
      %mul3A_229 = arith.muli %add3A_227, %mul3A_228 : i32
      %add3A_230 = arith.addi %mul3A_2, %mul3A_229 : i32
      %add3A_231 = arith.constant 32 : i32
      %add3A_232 = arith.addi %add3A_230, %add3A_231 : i32
      %dma_wait3A_233 = arith.constant 0 : i32
      %dma_wait3A_234 = arith.constant 0 : i32
      %dma_wait3A_235 = tpu.memref_slice %arg8[%dma_wait3A_233, %dma_wait3A_234] : memref<64x512xf32, #tpu.memory_space<vmem>> -> memref<32x512xf32, #tpu.memory_space<vmem>>
      %dma_wait3A_236 = arith.constant 0 : i32
      %dma_wait3A_237 = tpu.memref_slice %arg3[%add3A_230, %dma_wait3A_236] : memref<65536x512xf32, #tpu.memory_space<hbm>> -> memref<32x512xf32, #tpu.memory_space<hbm>>
      %dma_wait3A_238 = arith.constant 0 : i32
      %dma_wait3A_239 = arith.constant 0 : i32
      %dma_wait3A_240 = tpu.memref_slice %arg8[%dma_wait3A_238, %dma_wait3A_239] : memref<64x512xf32, #tpu.memory_space<vmem>> -> memref<32x512xf32, #tpu.memory_space<vmem>>
      %dma_wait3A_241 = arith.constant 0 : i32
      %dma_wait3A_242 = tpu.memref_slice %arg3[%add3A_230, %dma_wait3A_241] : memref<65536x512xf32, #tpu.memory_space<hbm>> -> memref<32x512xf32, #tpu.memory_space<hbm>>
      tpu.wait_dma2 semaphore(%arg12 : memref<!tpu.dma_semaphore, #tpu.memory_space<semaphore_mem>>) src(%dma_wait3A_242 : memref<32x512xf32, #tpu.memory_space<hbm>>) dst(%dma_wait3A_240 : memref<32x512xf32, #tpu.memory_space<vmem>>)
      %dma_wait3A_243 = arith.constant 32 : i32
      %dma_wait3A_244 = arith.constant 0 : i32
      %dma_wait3A_245 = tpu.memref_slice %arg8[%dma_wait3A_243, %dma_wait3A_244] : memref<64x512xf32, #tpu.memory_space<vmem>> -> memref<32x512xf32, #tpu.memory_space<vmem>>
      %dma_wait3A_246 = arith.constant 0 : i32
      %dma_wait3A_247 = tpu.memref_slice %arg3[%add3A_232, %dma_wait3A_246] : memref<65536x512xf32, #tpu.memory_space<hbm>> -> memref<32x512xf32, #tpu.memory_space<hbm>>
      %dma_wait3A_248 = arith.constant 32 : i32
      %dma_wait3A_249 = arith.constant 0 : i32
      %dma_wait3A_250 = tpu.memref_slice %arg8[%dma_wait3A_248, %dma_wait3A_249] : memref<64x512xf32, #tpu.memory_space<vmem>> -> memref<32x512xf32, #tpu.memory_space<vmem>>
      %dma_wait3A_251 = arith.constant 0 : i32
      %dma_wait3A_252 = tpu.memref_slice %arg3[%add3A_232, %dma_wait3A_251] : memref<65536x512xf32, #tpu.memory_space<hbm>> -> memref<32x512xf32, #tpu.memory_space<hbm>>
      tpu.wait_dma2 semaphore(%arg12 : memref<!tpu.dma_semaphore, #tpu.memory_space<semaphore_mem>>) src(%dma_wait3A_252 : memref<32x512xf32, #tpu.memory_space<hbm>>) dst(%dma_wait3A_250 : memref<32x512xf32, #tpu.memory_space<vmem>>)
      %scan3A_253 = arith.constant 0 : i32
      %scan3A_254 = arith.constant 64 : i32
      %scan3A_255 = arith.addi %scan3A_253, %scan3A_254 : i32
      %scan3A_256 = arith.constant 1 : i32
      %scan3A_257:8 = scf.for %scan3A_348 = %scan3A_253 to %scan3A_255 step %scan3A_256 iter_args(%scan3A_349 = %broadcast_in_dim3A_3, %scan3A_350 = %broadcast_in_dim3A_3, %scan3A_351 = %broadcast_in_dim3A_3, %scan3A_352 = %broadcast_in_dim3A_3, %scan3A_353 = %broadcast_in_dim3A_3, %scan3A_354 = %broadcast_in_dim3A_3, %scan3A_355 = %broadcast_in_dim3A_3, %scan3A_356 = %broadcast_in_dim3A_3) -> (vector<16xf32>, vector<16xf32>, vector<16xf32>, vector<16xf32>, vector<16xf32>, vector<16xf32>, vector<16xf32>, vector<16xf32>)  : i32 {
        %mul3A_357 = arith.constant 8 : i32
        %mul3A_358 = arith.muli %scan3A_348, %mul3A_357 : i32
        %add3A_359 = arith.constant 0 : i32
        %add3A_360 = arith.addi %mul3A_358, %add3A_359 : i32
        %broadcast_in_dim3A_361 = vector.broadcast %add3A_360 : i32 to vector<16xi32>
        %add3A_362 = arith.addi %broadcast_in_dim3A_361, %mul3A_6 : vector<16xi32>
        %and3A = arith.constant 511 : i32
        %and3A_363 = vector.broadcast %and3A : i32 to vector<16xi32>
        %and3A_364 = arith.andi %add3A_362, %and3A_363 : vector<16xi32>
        %gather3A = tpu.vector_load_idx %arg6[%and3A_364] : memref<512xf32, #tpu.memory_space<vmem>>[vector<16xi32>], vector<16xf32>,
        %gather3A_365 = tpu.vector_load_idx %arg8[%add3A_9, %and3A_364] : memref<64x512xf32, #tpu.memory_space<vmem>>[vector<16xi32>, vector<16xi32>], vector<16xf32>,
        %sub3A = arith.subf %gather3A_365, %gather3A : vector<16xf32>
        %mul3A_366 = arith.mulf %sub3A, %sub3A : vector<16xf32>
        %add3A_367 = arith.addf %scan3A_349, %mul3A_366 : vector<16xf32>
        %gather3A_368 = tpu.vector_load_idx %arg8[%add3A_12, %and3A_364] : memref<64x512xf32, #tpu.memory_space<vmem>>[vector<16xi32>, vector<16xi32>], vector<16xf32>,
        %sub3A_369 = arith.subf %gather3A_368, %gather3A : vector<16xf32>
        %mul3A_370 = arith.mulf %sub3A_369, %sub3A_369 : vector<16xf32>
        %add3A_371 = arith.addf %scan3A_351, %mul3A_370 : vector<16xf32>
        %gather3A_372 = tpu.vector_load_idx %arg8[%add3A_15, %and3A_364] : memref<64x512xf32, #tpu.memory_space<vmem>>[vector<16xi32>, vector<16xi32>], vector<16xf32>,
        %sub3A_373 = arith.subf %gather3A_372, %gather3A : vector<16xf32>
        %mul3A_374 = arith.mulf %sub3A_373, %sub3A_373 : vector<16xf32>
        %add3A_375 = arith.addf %scan3A_353, %mul3A_374 : vector<16xf32>
        %gather3A_376 = tpu.vector_load_idx %arg8[%add3A_18, %and3A_364] : memref<64x512xf32, #tpu.memory_space<vmem>>[vector<16xi32>, vector<16xi32>], vector<16xf32>,
        %sub3A_377 = arith.subf %gather3A_376, %gather3A : vector<16xf32>
        %mul3A_378 = arith.mulf %sub3A_377, %sub3A_377 : vector<16xf32>
        %add3A_379 = arith.addf %scan3A_355, %mul3A_378 : vector<16xf32>
        %mul3A_380 = arith.constant 8 : i32
        %mul3A_381 = arith.muli %scan3A_348, %mul3A_380 : i32
        %add3A_382 = arith.constant 1 : i32
        %add3A_383 = arith.addi %mul3A_381, %add3A_382 : i32
        %broadcast_in_dim3A_384 = vector.broadcast %add3A_383 : i32 to vector<16xi32>
        %add3A_385 = arith.addi %broadcast_in_dim3A_384, %mul3A_6 : vector<16xi32>
        %and3A_386 = arith.constant 511 : i32
        %and3A_387 = vector.broadcast %and3A_386 : i32 to vector<16xi32>
        %and3A_388 = arith.andi %add3A_385, %and3A_387 : vector<16xi32>
        %gather3A_389 = tpu.vector_load_idx %arg6[%and3A_388] : memref<512xf32, #tpu.memory_space<vmem>>[vector<16xi32>], vector<16xf32>,
        %gather3A_390 = tpu.vector_load_idx %arg8[%add3A_9, %and3A_388] : memref<64x512xf32, #tpu.memory_space<vmem>>[vector<16xi32>, vector<16xi32>], vector<16xf32>,
        %sub3A_391 = arith.subf %gather3A_390, %gather3A_389 : vector<16xf32>
        %mul3A_392 = arith.mulf %sub3A_391, %sub3A_391 : vector<16xf32>
        %add3A_393 = arith.addf %scan3A_350, %mul3A_392 : vector<16xf32>
        %gather3A_394 = tpu.vector_load_idx %arg8[%add3A_12, %and3A_388] : memref<64x512xf32, #tpu.memory_space<vmem>>[vector<16xi32>, vector<16xi32>], vector<16xf32>,
        %sub3A_395 = arith.subf %gather3A_394, %gather3A_389 : vector<16xf32>
        %mul3A_396 = arith.mulf %sub3A_395, %sub3A_395 : vector<16xf32>
        %add3A_397 = arith.addf %scan3A_352, %mul3A_396 : vector<16xf32>
        %gather3A_398 = tpu.vector_load_idx %arg8[%add3A_15, %and3A_388] : memref<64x512xf32, #tpu.memory_space<vmem>>[vector<16xi32>, vector<16xi32>], vector<16xf32>,
        %sub3A_399 = arith.subf %gather3A_398, %gather3A_389 : vector<16xf32>
        %mul3A_400 = arith.mulf %sub3A_399, %sub3A_399 : vector<16xf32>
        %add3A_401 = arith.addf %scan3A_354, %mul3A_400 : vector<16xf32>
        %gather3A_402 = tpu.vector_load_idx %arg8[%add3A_18, %and3A_388] : memref<64x512xf32, #tpu.memory_space<vmem>>[vector<16xi32>, vector<16xi32>], vector<16xf32>,
        %sub3A_403 = arith.subf %gather3A_402, %gather3A_389 : vector<16xf32>
        %mul3A_404 = arith.mulf %sub3A_403, %sub3A_403 : vector<16xf32>
        %add3A_405 = arith.addf %scan3A_356, %mul3A_404 : vector<16xf32>
        %mul3A_406 = arith.constant 8 : i32
        %mul3A_407 = arith.muli %scan3A_348, %mul3A_406 : i32
        %add3A_408 = arith.constant 2 : i32
        %add3A_409 = arith.addi %mul3A_407, %add3A_408 : i32
        %broadcast_in_dim3A_410 = vector.broadcast %add3A_409 : i32 to vector<16xi32>
        %add3A_411 = arith.addi %broadcast_in_dim3A_410, %mul3A_6 : vector<16xi32>
        %and3A_412 = arith.constant 511 : i32
        %and3A_413 = vector.broadcast %and3A_412 : i32 to vector<16xi32>
        %and3A_414 = arith.andi %add3A_411, %and3A_413 : vector<16xi32>
        %gather3A_415 = tpu.vector_load_idx %arg6[%and3A_414] : memref<512xf32, #tpu.memory_space<vmem>>[vector<16xi32>], vector<16xf32>,
        %gather3A_416 = tpu.vector_load_idx %arg8[%add3A_9, %and3A_414] : memref<64x512xf32, #tpu.memory_space<vmem>>[vector<16xi32>, vector<16xi32>], vector<16xf32>,
        %sub3A_417 = arith.subf %gather3A_416, %gather3A_415 : vector<16xf32>
        %mul3A_418 = arith.mulf %sub3A_417, %sub3A_417 : vector<16xf32>
        %add3A_419 = arith.addf %add3A_367, %mul3A_418 : vector<16xf32>
        %gather3A_420 = tpu.vector_load_idx %arg8[%add3A_12, %and3A_414] : memref<64x512xf32, #tpu.memory_space<vmem>>[vector<16xi32>, vector<16xi32>], vector<16xf32>,
        %sub3A_421 = arith.subf %gather3A_420, %gather3A_415 : vector<16xf32>
        %mul3A_422 = arith.mulf %sub3A_421, %sub3A_421 : vector<16xf32>
        %add3A_423 = arith.addf %add3A_371, %mul3A_422 : vector<16xf32>
        %gather3A_424 = tpu.vector_load_idx %arg8[%add3A_15, %and3A_414] : memref<64x512xf32, #tpu.memory_space<vmem>>[vector<16xi32>, vector<16xi32>], vector<16xf32>,
        %sub3A_425 = arith.subf %gather3A_424, %gather3A_415 : vector<16xf32>
        %mul3A_426 = arith.mulf %sub3A_425, %sub3A_425 : vector<16xf32>
        %add3A_427 = arith.addf %add3A_375, %mul3A_426 : vector<16xf32>
        %gather3A_428 = tpu.vector_load_idx %arg8[%add3A_18, %and3A_414] : memref<64x512xf32, #tpu.memory_space<vmem>>[vector<16xi32>, vector<16xi32>], vector<16xf32>,
        %sub3A_429 = arith.subf %gather3A_428, %gather3A_415 : vector<16xf32>
        %mul3A_430 = arith.mulf %sub3A_429, %sub3A_429 : vector<16xf32>
        %add3A_431 = arith.addf %add3A_379, %mul3A_430 : vector<16xf32>
        %mul3A_432 = arith.constant 8 : i32
        %mul3A_433 = arith.muli %scan3A_348, %mul3A_432 : i32
        %add3A_434 = arith.constant 3 : i32
        %add3A_435 = arith.addi %mul3A_433, %add3A_434 : i32
        %broadcast_in_dim3A_436 = vector.broadcast %add3A_435 : i32 to vector<16xi32>
        %add3A_437 = arith.addi %broadcast_in_dim3A_436, %mul3A_6 : vector<16xi32>
        %and3A_438 = arith.constant 511 : i32
        %and3A_439 = vector.broadcast %and3A_438 : i32 to vector<16xi32>
        %and3A_440 = arith.andi %add3A_437, %and3A_439 : vector<16xi32>
        %gather3A_441 = tpu.vector_load_idx %arg6[%and3A_440] : memref<512xf32, #tpu.memory_space<vmem>>[vector<16xi32>], vector<16xf32>,
        %gather3A_442 = tpu.vector_load_idx %arg8[%add3A_9, %and3A_440] : memref<64x512xf32, #tpu.memory_space<vmem>>[vector<16xi32>, vector<16xi32>], vector<16xf32>,
        %sub3A_443 = arith.subf %gather3A_442, %gather3A_441 : vector<16xf32>
        %mul3A_444 = arith.mulf %sub3A_443, %sub3A_443 : vector<16xf32>
        %add3A_445 = arith.addf %add3A_393, %mul3A_444 : vector<16xf32>
        %gather3A_446 = tpu.vector_load_idx %arg8[%add3A_12, %and3A_440] : memref<64x512xf32, #tpu.memory_space<vmem>>[vector<16xi32>, vector<16xi32>], vector<16xf32>,
        %sub3A_447 = arith.subf %gather3A_446, %gather3A_441 : vector<16xf32>
        %mul3A_448 = arith.mulf %sub3A_447, %sub3A_447 : vector<16xf32>
        %add3A_449 = arith.addf %add3A_397, %mul3A_448 : vector<16xf32>
        %gather3A_450 = tpu.vector_load_idx %arg8[%add3A_15, %and3A_440] : memref<64x512xf32, #tpu.memory_space<vmem>>[vector<16xi32>, vector<16xi32>], vector<16xf32>,
        %sub3A_451 = arith.subf %gather3A_450, %gather3A_441 : vector<16xf32>
        %mul3A_452 = arith.mulf %sub3A_451, %sub3A_451 : vector<16xf32>
        %add3A_453 = arith.addf %add3A_401, %mul3A_452 : vector<16xf32>
        %gather3A_454 = tpu.vector_load_idx %arg8[%add3A_18, %and3A_440] : memref<64x512xf32, #tpu.memory_space<vmem>>[vector<16xi32>, vector<16xi32>], vector<16xf32>,
        %sub3A_455 = arith.subf %gather3A_454, %gather3A_441 : vector<16xf32>
        %mul3A_456 = arith.mulf %sub3A_455, %sub3A_455 : vector<16xf32>
        %add3A_457 = arith.addf %add3A_405, %mul3A_456 : vector<16xf32>
        %mul3A_458 = arith.constant 8 : i32
        %mul3A_459 = arith.muli %scan3A_348, %mul3A_458 : i32
        %add3A_460 = arith.constant 4 : i32
        %add3A_461 = arith.addi %mul3A_459, %add3A_460 : i32
        %broadcast_in_dim3A_462 = vector.broadcast %add3A_461 : i32 to vector<16xi32>
        %add3A_463 = arith.addi %broadcast_in_dim3A_462, %mul3A_6 : vector<16xi32>
        %and3A_464 = arith.constant 511 : i32
        %and3A_465 = vector.broadcast %and3A_464 : i32 to vector<16xi32>
        %and3A_466 = arith.andi %add3A_463, %and3A_465 : vector<16xi32>
        %gather3A_467 = tpu.vector_load_idx %arg6[%and3A_466] : memref<512xf32, #tpu.memory_space<vmem>>[vector<16xi32>], vector<16xf32>,
        %gather3A_468 = tpu.vector_load_idx %arg8[%add3A_9, %and3A_466] : memref<64x512xf32, #tpu.memory_space<vmem>>[vector<16xi32>, vector<16xi32>], vector<16xf32>,
        %sub3A_469 = arith.subf %gather3A_468, %gather3A_467 : vector<16xf32>
        %mul3A_470 = arith.mulf %sub3A_469, %sub3A_469 : vector<16xf32>
        %add3A_471 = arith.addf %add3A_419, %mul3A_470 : vector<16xf32>
        %gather3A_472 = tpu.vector_load_idx %arg8[%add3A_12, %and3A_466] : memref<64x512xf32, #tpu.memory_space<vmem>>[vector<16xi32>, vector<16xi32>], vector<16xf32>,
        %sub3A_473 = arith.subf %gather3A_472, %gather3A_467 : vector<16xf32>
        %mul3A_474 = arith.mulf %sub3A_473, %sub3A_473 : vector<16xf32>
        %add3A_475 = arith.addf %add3A_423, %mul3A_474 : vector<16xf32>
        %gather3A_476 = tpu.vector_load_idx %arg8[%add3A_15, %and3A_466] : memref<64x512xf32, #tpu.memory_space<vmem>>[vector<16xi32>, vector<16xi32>], vector<16xf32>,
        %sub3A_477 = arith.subf %gather3A_476, %gather3A_467 : vector<16xf32>
        %mul3A_478 = arith.mulf %sub3A_477, %sub3A_477 : vector<16xf32>
        %add3A_479 = arith.addf %add3A_427, %mul3A_478 : vector<16xf32>
        %gather3A_480 = tpu.vector_load_idx %arg8[%add3A_18, %and3A_466] : memref<64x512xf32, #tpu.memory_space<vmem>>[vector<16xi32>, vector<16xi32>], vector<16xf32>,
        %sub3A_481 = arith.subf %gather3A_480, %gather3A_467 : vector<16xf32>
        %mul3A_482 = arith.mulf %sub3A_481, %sub3A_481 : vector<16xf32>
        %add3A_483 = arith.addf %add3A_431, %mul3A_482 : vector<16xf32>
        %mul3A_484 = arith.constant 8 : i32
        %mul3A_485 = arith.muli %scan3A_348, %mul3A_484 : i32
        %add3A_486 = arith.constant 5 : i32
        %add3A_487 = arith.addi %mul3A_485, %add3A_486 : i32
        %broadcast_in_dim3A_488 = vector.broadcast %add3A_487 : i32 to vector<16xi32>
        %add3A_489 = arith.addi %broadcast_in_dim3A_488, %mul3A_6 : vector<16xi32>
        %and3A_490 = arith.constant 511 : i32
        %and3A_491 = vector.broadcast %and3A_490 : i32 to vector<16xi32>
        %and3A_492 = arith.andi %add3A_489, %and3A_491 : vector<16xi32>
        %gather3A_493 = tpu.vector_load_idx %arg6[%and3A_492] : memref<512xf32, #tpu.memory_space<vmem>>[vector<16xi32>], vector<16xf32>,
        %gather3A_494 = tpu.vector_load_idx %arg8[%add3A_9, %and3A_492] : memref<64x512xf32, #tpu.memory_space<vmem>>[vector<16xi32>, vector<16xi32>], vector<16xf32>,
        %sub3A_495 = arith.subf %gather3A_494, %gather3A_493 : vector<16xf32>
        %mul3A_496 = arith.mulf %sub3A_495, %sub3A_495 : vector<16xf32>
        %add3A_497 = arith.addf %add3A_445, %mul3A_496 : vector<16xf32>
        %gather3A_498 = tpu.vector_load_idx %arg8[%add3A_12, %and3A_492] : memref<64x512xf32, #tpu.memory_space<vmem>>[vector<16xi32>, vector<16xi32>], vector<16xf32>,
        %sub3A_499 = arith.subf %gather3A_498, %gather3A_493 : vector<16xf32>
        %mul3A_500 = arith.mulf %sub3A_499, %sub3A_499 : vector<16xf32>
        %add3A_501 = arith.addf %add3A_449, %mul3A_500 : vector<16xf32>
        %gather3A_502 = tpu.vector_load_idx %arg8[%add3A_15, %and3A_492] : memref<64x512xf32, #tpu.memory_space<vmem>>[vector<16xi32>, vector<16xi32>], vector<16xf32>,
        %sub3A_503 = arith.subf %gather3A_502, %gather3A_493 : vector<16xf32>
        %mul3A_504 = arith.mulf %sub3A_503, %sub3A_503 : vector<16xf32>
        %add3A_505 = arith.addf %add3A_453, %mul3A_504 : vector<16xf32>
        %gather3A_506 = tpu.vector_load_idx %arg8[%add3A_18, %and3A_492] : memref<64x512xf32, #tpu.memory_space<vmem>>[vector<16xi32>, vector<16xi32>], vector<16xf32>,
        %sub3A_507 = arith.subf %gather3A_506, %gather3A_493 : vector<16xf32>
        %mul3A_508 = arith.mulf %sub3A_507, %sub3A_507 : vector<16xf32>
        %add3A_509 = arith.addf %add3A_457, %mul3A_508 : vector<16xf32>
        %mul3A_510 = arith.constant 8 : i32
        %mul3A_511 = arith.muli %scan3A_348, %mul3A_510 : i32
        %add3A_512 = arith.constant 6 : i32
        %add3A_513 = arith.addi %mul3A_511, %add3A_512 : i32
        %broadcast_in_dim3A_514 = vector.broadcast %add3A_513 : i32 to vector<16xi32>
        %add3A_515 = arith.addi %broadcast_in_dim3A_514, %mul3A_6 : vector<16xi32>
        %and3A_516 = arith.constant 511 : i32
        %and3A_517 = vector.broadcast %and3A_516 : i32 to vector<16xi32>
        %and3A_518 = arith.andi %add3A_515, %and3A_517 : vector<16xi32>
        %gather3A_519 = tpu.vector_load_idx %arg6[%and3A_518] : memref<512xf32, #tpu.memory_space<vmem>>[vector<16xi32>], vector<16xf32>,
        %gather3A_520 = tpu.vector_load_idx %arg8[%add3A_9, %and3A_518] : memref<64x512xf32, #tpu.memory_space<vmem>>[vector<16xi32>, vector<16xi32>], vector<16xf32>,
        %sub3A_521 = arith.subf %gather3A_520, %gather3A_519 : vector<16xf32>
        %mul3A_522 = arith.mulf %sub3A_521, %sub3A_521 : vector<16xf32>
        %add3A_523 = arith.addf %add3A_471, %mul3A_522 : vector<16xf32>
        %gather3A_524 = tpu.vector_load_idx %arg8[%add3A_12, %and3A_518] : memref<64x512xf32, #tpu.memory_space<vmem>>[vector<16xi32>, vector<16xi32>], vector<16xf32>,
        %sub3A_525 = arith.subf %gather3A_524, %gather3A_519 : vector<16xf32>
        %mul3A_526 = arith.mulf %sub3A_525, %sub3A_525 : vector<16xf32>
        %add3A_527 = arith.addf %add3A_475, %mul3A_526 : vector<16xf32>
        %gather3A_528 = tpu.vector_load_idx %arg8[%add3A_15, %and3A_518] : memref<64x512xf32, #tpu.memory_space<vmem>>[vector<16xi32>, vector<16xi32>], vector<16xf32>,
        %sub3A_529 = arith.subf %gather3A_528, %gather3A_519 : vector<16xf32>
        %mul3A_530 = arith.mulf %sub3A_529, %sub3A_529 : vector<16xf32>
        %add3A_531 = arith.addf %add3A_479, %mul3A_530 : vector<16xf32>
        %gather3A_532 = tpu.vector_load_idx %arg8[%add3A_18, %and3A_518] : memref<64x512xf32, #tpu.memory_space<vmem>>[vector<16xi32>, vector<16xi32>], vector<16xf32>,
        %sub3A_533 = arith.subf %gather3A_532, %gather3A_519 : vector<16xf32>
        %mul3A_534 = arith.mulf %sub3A_533, %sub3A_533 : vector<16xf32>
        %add3A_535 = arith.addf %add3A_483, %mul3A_534 : vector<16xf32>
        %mul3A_536 = arith.constant 8 : i32
        %mul3A_537 = arith.muli %scan3A_348, %mul3A_536 : i32
        %add3A_538 = arith.constant 7 : i32
        %add3A_539 = arith.addi %mul3A_537, %add3A_538 : i32
        %broadcast_in_dim3A_540 = vector.broadcast %add3A_539 : i32 to vector<16xi32>
        %add3A_541 = arith.addi %broadcast_in_dim3A_540, %mul3A_6 : vector<16xi32>
        %and3A_542 = arith.constant 511 : i32
        %and3A_543 = vector.broadcast %and3A_542 : i32 to vector<16xi32>
        %and3A_544 = arith.andi %add3A_541, %and3A_543 : vector<16xi32>
        %gather3A_545 = tpu.vector_load_idx %arg6[%and3A_544] : memref<512xf32, #tpu.memory_space<vmem>>[vector<16xi32>], vector<16xf32>,
        %gather3A_546 = tpu.vector_load_idx %arg8[%add3A_9, %and3A_544] : memref<64x512xf32, #tpu.memory_space<vmem>>[vector<16xi32>, vector<16xi32>], vector<16xf32>,
        %sub3A_547 = arith.subf %gather3A_546, %gather3A_545 : vector<16xf32>
        %mul3A_548 = arith.mulf %sub3A_547, %sub3A_547 : vector<16xf32>
        %add3A_549 = arith.addf %add3A_497, %mul3A_548 : vector<16xf32>
        %gather3A_550 = tpu.vector_load_idx %arg8[%add3A_12, %and3A_544] : memref<64x512xf32, #tpu.memory_space<vmem>>[vector<16xi32>, vector<16xi32>], vector<16xf32>,
        %sub3A_551 = arith.subf %gather3A_550, %gather3A_545 : vector<16xf32>
        %mul3A_552 = arith.mulf %sub3A_551, %sub3A_551 : vector<16xf32>
        %add3A_553 = arith.addf %add3A_501, %mul3A_552 : vector<16xf32>
        %gather3A_554 = tpu.vector_load_idx %arg8[%add3A_15, %and3A_544] : memref<64x512xf32, #tpu.memory_space<vmem>>[vector<16xi32>, vector<16xi32>], vector<16xf32>,
        %sub3A_555 = arith.subf %gather3A_554, %gather3A_545 : vector<16xf32>
        %mul3A_556 = arith.mulf %sub3A_555, %sub3A_555 : vector<16xf32>
        %add3A_557 = arith.addf %add3A_505, %mul3A_556 : vector<16xf32>
        %gather3A_558 = tpu.vector_load_idx %arg8[%add3A_18, %and3A_544] : memref<64x512xf32, #tpu.memory_space<vmem>>[vector<16xi32>, vector<16xi32>], vector<16xf32>,
        %sub3A_559 = arith.subf %gather3A_558, %gather3A_545 : vector<16xf32>
        %mul3A_560 = arith.mulf %sub3A_559, %sub3A_559 : vector<16xf32>
        %add3A_561 = arith.addf %add3A_509, %mul3A_560 : vector<16xf32>
        scf.yield %add3A_523, %add3A_549, %add3A_527, %add3A_553, %add3A_531, %add3A_557, %add3A_535, %add3A_561 : vector<16xf32>, vector<16xf32>, vector<16xf32>, vector<16xf32>, vector<16xf32>, vector<16xf32>, vector<16xf32>, vector<16xf32>
      }
      %scan3A_258 = arith.constant 64 : i32
      %add3A_259 = arith.addf %scan3A_257#0, %scan3A_257#1 : vector<16xf32>
      %mul3A_260 = arith.constant 64 : i32
      %mul3A_261 = arith.muli %add3A_227, %mul3A_260 : i32
      %add3A_262 = arith.addi %mul3A_2, %mul3A_261 : i32
      %add3A_263 = arith.constant 0 : i32
      %add3A_264 = arith.addi %add3A_262, %add3A_263 : i32
      %broadcast_in_dim3A_265 = vector.broadcast %add3A_264 : i32 to vector<16xi32>
      %add3A_266 = arith.addi %broadcast_in_dim3A_265, %iota3A : vector<16xi32>
      %lt3A_267 = arith.cmpf olt, %add3A_259, %select_n3A_211 : vector<16xf32>
      %lt3A_268 = arith.cmpf olt, %add3A_259, %select_n3A_214 : vector<16xf32>
      %lt3A_269 = arith.cmpf olt, %add3A_259, %select_n3A_218 : vector<16xf32>
      %select_n3A_270 = arith.select %lt3A_267, %add3A_259, %select_n3A_211 : vector<16xi1>, vector<16xf32>
      %select_n3A_271 = arith.select %lt3A_267, %add3A_266, %select_n3A_212 : vector<16xi1>, vector<16xi32>
      %select_n3A_272 = arith.select %lt3A_268, %add3A_259, %select_n3A_214 : vector<16xi1>, vector<16xf32>
      %select_n3A_273 = arith.select %lt3A_267, %select_n3A_211, %select_n3A_272 : vector<16xi1>, vector<16xf32>
      %select_n3A_274 = arith.select %lt3A_268, %add3A_266, %select_n3A_216 : vector<16xi1>, vector<16xi32>
      %select_n3A_275 = arith.select %lt3A_267, %select_n3A_212, %select_n3A_274 : vector<16xi1>, vector<16xi32>
      %select_n3A_276 = arith.select %lt3A_269, %add3A_259, %select_n3A_218 : vector<16xi1>, vector<16xf32>
      %select_n3A_277 = arith.select %lt3A_268, %select_n3A_214, %select_n3A_276 : vector<16xi1>, vector<16xf32>
      %select_n3A_278 = arith.select %lt3A_269, %add3A_266, %select_n3A_220 : vector<16xi1>, vector<16xi32>
      %select_n3A_279 = arith.select %lt3A_268, %select_n3A_216, %select_n3A_278 : vector<16xi1>, vector<16xi32>
      %add3A_280 = arith.addf %scan3A_257#2, %scan3A_257#3 : vector<16xf32>
      %mul3A_281 = arith.constant 64 : i32
      %mul3A_282 = arith.muli %add3A_227, %mul3A_281 : i32
      %add3A_283 = arith.addi %mul3A_2, %mul3A_282 : i32
      %add3A_284 = arith.constant 16 : i32
      %add3A_285 = arith.addi %add3A_283, %add3A_284 : i32
      %broadcast_in_dim3A_286 = vector.broadcast %add3A_285 : i32 to vector<16xi32>
      %add3A_287 = arith.addi %broadcast_in_dim3A_286, %iota3A : vector<16xi32>
      %lt3A_288 = arith.cmpf olt, %add3A_280, %select_n3A_270 : vector<16xf32>
      %lt3A_289 = arith.cmpf olt, %add3A_280, %select_n3A_273 : vector<16xf32>
      %lt3A_290 = arith.cmpf olt, %add3A_280, %select_n3A_277 : vector<16xf32>
      %select_n3A_291 = arith.select %lt3A_288, %add3A_280, %select_n3A_270 : vector<16xi1>, vector<16xf32>
      %select_n3A_292 = arith.select %lt3A_288, %add3A_287, %select_n3A_271 : vector<16xi1>, vector<16xi32>
      %select_n3A_293 = arith.select %lt3A_289, %add3A_280, %select_n3A_273 : vector<16xi1>, vector<16xf32>
      %select_n3A_294 = arith.select %lt3A_288, %select_n3A_270, %select_n3A_293 : vector<16xi1>, vector<16xf32>
      %select_n3A_295 = arith.select %lt3A_289, %add3A_287, %select_n3A_275 : vector<16xi1>, vector<16xi32>
      %select_n3A_296 = arith.select %lt3A_288, %select_n3A_271, %select_n3A_295 : vector<16xi1>, vector<16xi32>
      %select_n3A_297 = arith.select %lt3A_290, %add3A_280, %select_n3A_277 : vector<16xi1>, vector<16xf32>
      %select_n3A_298 = arith.select %lt3A_289, %select_n3A_273, %select_n3A_297 : vector<16xi1>, vector<16xf32>
      %select_n3A_299 = arith.select %lt3A_290, %add3A_287, %select_n3A_279 : vector<16xi1>, vector<16xi32>
      %select_n3A_300 = arith.select %lt3A_289, %select_n3A_275, %select_n3A_299 : vector<16xi1>, vector<16xi32>
      %add3A_301 = arith.addf %scan3A_257#4, %scan3A_257#5 : vector<16xf32>
      %mul3A_302 = arith.constant 64 : i32
      %mul3A_303 = arith.muli %add3A_227, %mul3A_302 : i32
      %add3A_304 = arith.addi %mul3A_2, %mul3A_303 : i32
      %add3A_305 = arith.constant 32 : i32
      %add3A_306 = arith.addi %add3A_304, %add3A_305 : i32
      %broadcast_in_dim3A_307 = vector.broadcast %add3A_306 : i32 to vector<16xi32>
      %add3A_308 = arith.addi %broadcast_in_dim3A_307, %iota3A : vector<16xi32>
      %lt3A_309 = arith.cmpf olt, %add3A_301, %select_n3A_291 : vector<16xf32>
      %lt3A_310 = arith.cmpf olt, %add3A_301, %select_n3A_294 : vector<16xf32>
      %lt3A_311 = arith.cmpf olt, %add3A_301, %select_n3A_298 : vector<16xf32>
      %select_n3A_312 = arith.select %lt3A_309, %add3A_301, %select_n3A_291 : vector<16xi1>, vector<16xf32>
      %select_n3A_313 = arith.select %lt3A_309, %add3A_308, %select_n3A_292 : vector<16xi1>, vector<16xi32>
      %select_n3A_314 = arith.select %lt3A_310, %add3A_301, %select_n3A_294 : vector<16xi1>, vector<16xf32>
      %select_n3A_315 = arith.select %lt3A_309, %select_n3A_291, %select_n3A_314 : vector<16xi1>, vector<16xf32>
      %select_n3A_316 = arith.select %lt3A_310, %add3A_308, %select_n3A_296 : vector<16xi1>, vector<16xi32>
      %select_n3A_317 = arith.select %lt3A_309, %select_n3A_292, %select_n3A_316 : vector<16xi1>, vector<16xi32>
      %select_n3A_318 = arith.select %lt3A_311, %add3A_301, %select_n3A_298 : vector<16xi1>, vector<16xf32>
      %select_n3A_319 = arith.select %lt3A_310, %select_n3A_294, %select_n3A_318 : vector<16xi1>, vector<16xf32>
      %select_n3A_320 = arith.select %lt3A_311, %add3A_308, %select_n3A_300 : vector<16xi1>, vector<16xi32>
      %select_n3A_321 = arith.select %lt3A_310, %select_n3A_296, %select_n3A_320 : vector<16xi1>, vector<16xi32>
      %add3A_322 = arith.addf %scan3A_257#6, %scan3A_257#7 : vector<16xf32>
      %mul3A_323 = arith.constant 64 : i32
      %mul3A_324 = arith.muli %add3A_227, %mul3A_323 : i32
      %add3A_325 = arith.addi %mul3A_2, %mul3A_324 : i32
      %add3A_326 = arith.constant 48 : i32
      %add3A_327 = arith.addi %add3A_325, %add3A_326 : i32
      %broadcast_in_dim3A_328 = vector.broadcast %add3A_327 : i32 to vector<16xi32>
      %add3A_329 = arith.addi %broadcast_in_dim3A_328, %iota3A : vector<16xi32>
      %lt3A_330 = arith.cmpf olt, %add3A_322, %select_n3A_312 : vector<16xf32>
      %lt3A_331 = arith.cmpf olt, %add3A_322, %select_n3A_315 : vector<16xf32>
      %lt3A_332 = arith.cmpf olt, %add3A_322, %select_n3A_319 : vector<16xf32>
      %select_n3A_333 = arith.select %lt3A_330, %add3A_322, %select_n3A_312 : vector<16xi1>, vector<16xf32>
      %select_n3A_334 = arith.select %lt3A_330, %add3A_329, %select_n3A_313 : vector<16xi1>, vector<16xi32>
      %select_n3A_335 = arith.select %lt3A_331, %add3A_322, %select_n3A_315 : vector<16xi1>, vector<16xf32>
      %select_n3A_336 = arith.select %lt3A_330, %select_n3A_312, %select_n3A_335 : vector<16xi1>, vector<16xf32>
      %select_n3A_337 = arith.select %lt3A_331, %add3A_329, %select_n3A_317 : vector<16xi1>, vector<16xi32>
      %select_n3A_338 = arith.select %lt3A_330, %select_n3A_313, %select_n3A_337 : vector<16xi1>, vector<16xi32>
      %select_n3A_339 = arith.select %lt3A_332, %add3A_322, %select_n3A_319 : vector<16xi1>, vector<16xf32>
      %select_n3A_340 = arith.select %lt3A_331, %select_n3A_315, %select_n3A_339 : vector<16xi1>, vector<16xf32>
      %select_n3A_341 = arith.select %lt3A_332, %add3A_329, %select_n3A_321 : vector<16xi1>, vector<16xi32>
      %select_n3A_342 = arith.select %lt3A_331, %select_n3A_317, %select_n3A_341 : vector<16xi1>, vector<16xi32>
      %lt3A_343 = arith.constant 5 : i32
      %lt3A_344 = arith.cmpi slt, %scan3A_98, %lt3A_343 : i32
      %convert_element_type3A_345 = arith.extui %lt3A_344 : i1 to i32
      %cond3A_346 = arith.constant 0 : i32
      %cond3A_347 = arith.cmpi ne, %convert_element_type3A_345, %cond3A_346 : i32
      scf.if %cond3A_347 {
        %add3A_348 = arith.constant 2 : i32
        %add3A_349 = arith.addi %add3A_227, %add3A_348 : i32
        %mul3A_350 = arith.constant 64 : i32
        %mul3A_351 = arith.muli %add3A_349, %mul3A_350 : i32
        %add3A_352 = arith.addi %mul3A_2, %mul3A_351 : i32
        %add3A_353 = arith.constant 32 : i32
        %add3A_354 = arith.addi %add3A_352, %add3A_353 : i32
        %dma_start3A_355 = arith.constant 0 : i32
        %dma_start3A_356 = arith.constant 0 : i32
        %dma_start3A_357 = tpu.memref_slice %arg8[%dma_start3A_355, %dma_start3A_356] : memref<64x512xf32, #tpu.memory_space<vmem>> -> memref<32x512xf32, #tpu.memory_space<vmem>>
        %dma_start3A_358 = arith.constant 0 : i32
        %dma_start3A_359 = tpu.memref_slice %arg3[%add3A_352, %dma_start3A_358] : memref<65536x512xf32, #tpu.memory_space<hbm>> -> memref<32x512xf32, #tpu.memory_space<hbm>>
        %dma_start3A_360 = arith.constant 0 : i32
        %dma_start3A_361 = arith.constant 0 : i32
        %dma_start3A_362 = tpu.memref_slice %arg8[%dma_start3A_360, %dma_start3A_361] : memref<64x512xf32, #tpu.memory_space<vmem>> -> memref<32x512xf32, #tpu.memory_space<vmem>>
        %dma_start3A_363 = arith.constant 0 : i32
        %dma_start3A_364 = tpu.memref_slice %arg3[%add3A_352, %dma_start3A_363] : memref<65536x512xf32, #tpu.memory_space<hbm>> -> memref<32x512xf32, #tpu.memory_space<hbm>>
        tpu.enqueue_dma source(%dma_start3A_364 : memref<32x512xf32, #tpu.memory_space<hbm>>) target(%dma_start3A_362 : memref<32x512xf32, #tpu.memory_space<vmem>>) target_semaphore(%arg12 : memref<!tpu.dma_semaphore, #tpu.memory_space<semaphore_mem>>)
        %dma_start3A_365 = arith.constant 32 : i32
        %dma_start3A_366 = arith.constant 0 : i32
        %dma_start3A_367 = tpu.memref_slice %arg8[%dma_start3A_365, %dma_start3A_366] : memref<64x512xf32, #tpu.memory_space<vmem>> -> memref<32x512xf32, #tpu.memory_space<vmem>>
        %dma_start3A_368 = arith.constant 0 : i32
        %dma_start3A_369 = tpu.memref_slice %arg3[%add3A_354, %dma_start3A_368] : memref<65536x512xf32, #tpu.memory_space<hbm>> -> memref<32x512xf32, #tpu.memory_space<hbm>>
        %dma_start3A_370 = arith.constant 32 : i32
        %dma_start3A_371 = arith.constant 0 : i32
        %dma_start3A_372 = tpu.memref_slice %arg8[%dma_start3A_370, %dma_start3A_371] : memref<64x512xf32, #tpu.memory_space<vmem>> -> memref<32x512xf32, #tpu.memory_space<vmem>>
        %dma_start3A_373 = arith.constant 0 : i32
        %dma_start3A_374 = tpu.memref_slice %arg3[%add3A_354, %dma_start3A_373] : memref<65536x512xf32, #tpu.memory_space<hbm>> -> memref<32x512xf32, #tpu.memory_space<hbm>>
        tpu.enqueue_dma source(%dma_start3A_374 : memref<32x512xf32, #tpu.memory_space<hbm>>) target(%dma_start3A_372 : memref<32x512xf32, #tpu.memory_space<vmem>>) target_semaphore(%arg12 : memref<!tpu.dma_semaphore, #tpu.memory_space<semaphore_mem>>)
      } else {
      }
      scf.yield %select_n3A_333, %select_n3A_336, %select_n3A_340, %select_n3A_334, %select_n3A_338, %select_n3A_342 : vector<16xf32>, vector<16xf32>, vector<16xf32>, vector<16xi32>, vector<16xi32>, vector<16xi32>
    }
    %scan3A_74 = arith.constant 6 : i32
    %swap3A = arith.constant 0 : i32
    %swap3A_75 = arith.index_cast %swap3A : i32 to index
    %swap3A_76 = arith.constant 0 : index
    %swap3A_77 = tpu.vector_load %arg9[%swap3A_75, %swap3A_76] {strides = array<i32>} : memref<3x16xf32, #tpu.memory_space<vmem>>, vector<16xf32>,
    tpu.vector_store %arg9[%swap3A_75, %swap3A_76], %scan3A_73#0 {strides = array<i32>} : memref<3x16xf32, #tpu.memory_space<vmem>>, vector<16xf32>,
    %swap3A_78 = arith.constant 1 : i32
    %swap3A_79 = arith.index_cast %swap3A_78 : i32 to index
    %swap3A_80 = arith.constant 0 : index
    %swap3A_81 = tpu.vector_load %arg9[%swap3A_79, %swap3A_80] {strides = array<i32>} : memref<3x16xf32, #tpu.memory_space<vmem>>, vector<16xf32>,
    tpu.vector_store %arg9[%swap3A_79, %swap3A_80], %scan3A_73#1 {strides = array<i32>} : memref<3x16xf32, #tpu.memory_space<vmem>>, vector<16xf32>,
    %swap3A_82 = arith.constant 2 : i32
    %swap3A_83 = arith.index_cast %swap3A_82 : i32 to index
    %swap3A_84 = arith.constant 0 : index
    %swap3A_85 = tpu.vector_load %arg9[%swap3A_83, %swap3A_84] {strides = array<i32>} : memref<3x16xf32, #tpu.memory_space<vmem>>, vector<16xf32>,
    tpu.vector_store %arg9[%swap3A_83, %swap3A_84], %scan3A_73#2 {strides = array<i32>} : memref<3x16xf32, #tpu.memory_space<vmem>>, vector<16xf32>,
    %swap3A_86 = arith.constant 0 : i32
    %swap3A_87 = arith.index_cast %swap3A_86 : i32 to index
    %swap3A_88 = arith.constant 0 : index
    %swap3A_89 = tpu.vector_load %arg10[%swap3A_87, %swap3A_88] {strides = array<i32>} : memref<3x16xi32, #tpu.memory_space<vmem>>, vector<16xi32>,
    tpu.vector_store %arg10[%swap3A_87, %swap3A_88], %scan3A_73#3 {strides = array<i32>} : memref<3x16xi32, #tpu.memory_space<vmem>>, vector<16xi32>,
    %swap3A_90 = arith.constant 1 : i32
    %swap3A_91 = arith.index_cast %swap3A_90 : i32 to index
    %swap3A_92 = arith.constant 0 : index
    %swap3A_93 = tpu.vector_load %arg10[%swap3A_91, %swap3A_92] {strides = array<i32>} : memref<3x16xi32, #tpu.memory_space<vmem>>, vector<16xi32>,
    tpu.vector_store %arg10[%swap3A_91, %swap3A_92], %scan3A_73#4 {strides = array<i32>} : memref<3x16xi32, #tpu.memory_space<vmem>>, vector<16xi32>,
    %swap3A_94 = arith.constant 2 : i32
    %swap3A_95 = arith.index_cast %swap3A_94 : i32 to index
    %swap3A_96 = arith.constant 0 : index
    %swap3A_97 = tpu.vector_load %arg10[%swap3A_95, %swap3A_96] {strides = array<i32>} : memref<3x16xi32, #tpu.memory_space<vmem>>, vector<16xi32>,
    tpu.vector_store %arg10[%swap3A_95, %swap3A_96], %scan3A_73#5 {strides = array<i32>} : memref<3x16xi32, #tpu.memory_space<vmem>>, vector<16xi32>,
    "tpu.region"() ({
      %run_scoped3A = tpu.sem_alloc : memref<!tpu.dma_semaphore, #tpu.memory_space<semaphore_mem>>
      %dma_start3A_98 = arith.constant 0 : i32
      %dma_start3A_99 = arith.constant 0 : i32
      %dma_start3A_100 = tpu.memref_slice %arg4[%add3A, %dma_start3A_98, %dma_start3A_99] : memref<32x3x16xf32, #tpu.memory_space<hbm>> -> memref<1x3x16xf32, #tpu.memory_space<hbm>>
      %dma_start3A_101 = tpu.memref_squeeze %dma_start3A_100 : memref<1x3x16xf32, #tpu.memory_space<hbm>> -> memref<3x16xf32, #tpu.memory_space<hbm>>
      %dma_start3A_102 = arith.constant 0 : i32
      %dma_start3A_103 = arith.constant 0 : i32
      %dma_start3A_104 = tpu.memref_slice %arg4[%add3A, %dma_start3A_102, %dma_start3A_103] : memref<32x3x16xf32, #tpu.memory_space<hbm>> -> memref<1x3x16xf32, #tpu.memory_space<hbm>>
      %dma_start3A_105 = tpu.memref_squeeze %dma_start3A_104 : memref<1x3x16xf32, #tpu.memory_space<hbm>> -> memref<3x16xf32, #tpu.memory_space<hbm>>
      tpu.enqueue_dma source(%arg9 : memref<3x16xf32, #tpu.memory_space<vmem>>) target(%dma_start3A_105 : memref<3x16xf32, #tpu.memory_space<hbm>>) target_semaphore(%run_scoped3A : memref<!tpu.dma_semaphore, #tpu.memory_space<semaphore_mem>>)
      %dma_wait3A = arith.constant 0 : i32
      %dma_wait3A_106 = arith.constant 0 : i32
      %dma_wait3A_107 = tpu.memref_slice %arg4[%add3A, %dma_wait3A, %dma_wait3A_106] : memref<32x3x16xf32, #tpu.memory_space<hbm>> -> memref<1x3x16xf32, #tpu.memory_space<hbm>>
      %dma_wait3A_108 = tpu.memref_squeeze %dma_wait3A_107 : memref<1x3x16xf32, #tpu.memory_space<hbm>> -> memref<3x16xf32, #tpu.memory_space<hbm>>
      %dma_wait3A_109 = arith.constant 0 : i32
      %dma_wait3A_110 = arith.constant 0 : i32
      %dma_wait3A_111 = tpu.memref_slice %arg4[%add3A, %dma_wait3A_109, %dma_wait3A_110] : memref<32x3x16xf32, #tpu.memory_space<hbm>> -> memref<1x3x16xf32, #tpu.memory_space<hbm>>
      %dma_wait3A_112 = tpu.memref_squeeze %dma_wait3A_111 : memref<1x3x16xf32, #tpu.memory_space<hbm>> -> memref<3x16xf32, #tpu.memory_space<hbm>>
      tpu.wait_dma2 semaphore(%run_scoped3A : memref<!tpu.dma_semaphore, #tpu.memory_space<semaphore_mem>>) src(%arg9 : memref<3x16xf32, #tpu.memory_space<vmem>>) dst(%dma_wait3A_112 : memref<3x16xf32, #tpu.memory_space<hbm>>)
      tpu.yield
    }) : () -> ()
    "tpu.region"() ({
      %run_scoped3A = tpu.sem_alloc : memref<!tpu.dma_semaphore, #tpu.memory_space<semaphore_mem>>
      %dma_start3A_98 = arith.constant 0 : i32
      %dma_start3A_99 = arith.constant 0 : i32
      %dma_start3A_100 = tpu.memref_slice %arg5[%add3A, %dma_start3A_98, %dma_start3A_99] : memref<32x3x16xi32, #tpu.memory_space<hbm>> -> memref<1x3x16xi32, #tpu.memory_space<hbm>>
      %dma_start3A_101 = tpu.memref_squeeze %dma_start3A_100 : memref<1x3x16xi32, #tpu.memory_space<hbm>> -> memref<3x16xi32, #tpu.memory_space<hbm>>
      %dma_start3A_102 = arith.constant 0 : i32
      %dma_start3A_103 = arith.constant 0 : i32
      %dma_start3A_104 = tpu.memref_slice %arg5[%add3A, %dma_start3A_102, %dma_start3A_103] : memref<32x3x16xi32, #tpu.memory_space<hbm>> -> memref<1x3x16xi32, #tpu.memory_space<hbm>>
      %dma_start3A_105 = tpu.memref_squeeze %dma_start3A_104 : memref<1x3x16xi32, #tpu.memory_space<hbm>> -> memref<3x16xi32, #tpu.memory_space<hbm>>
      tpu.enqueue_dma source(%arg10 : memref<3x16xi32, #tpu.memory_space<vmem>>) target(%dma_start3A_105 : memref<3x16xi32, #tpu.memory_space<hbm>>) target_semaphore(%run_scoped3A : memref<!tpu.dma_semaphore, #tpu.memory_space<semaphore_mem>>)
      %dma_wait3A = arith.constant 0 : i32
      %dma_wait3A_106 = arith.constant 0 : i32
      %dma_wait3A_107 = tpu.memref_slice %arg5[%add3A, %dma_wait3A, %dma_wait3A_106] : memref<32x3x16xi32, #tpu.memory_space<hbm>> -> memref<1x3x16xi32, #tpu.memory_space<hbm>>
      %dma_wait3A_108 = tpu.memref_squeeze %dma_wait3A_107 : memref<1x3x16xi32, #tpu.memory_space<hbm>> -> memref<3x16xi32, #tpu.memory_space<hbm>>
      %dma_wait3A_109 = arith.constant 0 : i32
      %dma_wait3A_110 = arith.constant 0 : i32
      %dma_wait3A_111 = tpu.memref_slice %arg5[%add3A, %dma_wait3A_109, %dma_wait3A_110] : memref<32x3x16xi32, #tpu.memory_space<hbm>> -> memref<1x3x16xi32, #tpu.memory_space<hbm>>
      %dma_wait3A_112 = tpu.memref_squeeze %dma_wait3A_111 : memref<1x3x16xi32, #tpu.memory_space<hbm>> -> memref<3x16xi32, #tpu.memory_space<hbm>>
      tpu.wait_dma2 semaphore(%run_scoped3A : memref<!tpu.dma_semaphore, #tpu.memory_space<semaphore_mem>>) src(%arg10 : memref<3x16xi32, #tpu.memory_space<vmem>>) dst(%dma_wait3A_112 : memref<3x16xi32, #tpu.memory_space<hbm>>)
      tpu.yield
    }) : () -> ()
    return
  }
}

module attributes {stable_mosaic.version = 14 : i64} {
  func.func @_merge_body(%arg0: memref<32x3x16xf32, #tpu.memory_space<vmem>>, %arg1: memref<32x3x16xi32, #tpu.memory_space<vmem>>, %arg2: memref<20x1x2048xf32, #tpu.memory_space<vmem>>, %arg3: memref<512x128xf32, #tpu.memory_space<vmem>>, %arg4: memref<1x1xi32, #tpu.memory_space<vmem>>, %arg5: memref<1x1xf32, #tpu.memory_space<vmem>>) attributes {dimension_semantics = [], scalar_prefetch = 0 : i64, scratch_operands = 0 : i64, tpu.core_type = #tpu.core_type<tc>} {
    %get3A = arith.constant 0 : index
    %get3A_0 = arith.constant 0 : index
    %get3A_1 = arith.constant 0 : index
    %get3A_2 = vector.load %arg0[%get3A, %get3A_0, %get3A_1] : memref<32x3x16xf32, #tpu.memory_space<vmem>>, vector<32x3x16xf32>
    %reshape3A = vector.shape_cast %get3A_2 : vector<32x3x16xf32> to vector<96x16xf32>
    %get3A_3 = arith.constant 0 : index
    %get3A_4 = arith.constant 0 : index
    %get3A_5 = arith.constant 0 : index
    %get3A_6 = vector.load %arg1[%get3A_3, %get3A_4, %get3A_5] : memref<32x3x16xi32, #tpu.memory_space<vmem>>, vector<32x3x16xi32>
    %reshape3A_7 = vector.shape_cast %get3A_6 : vector<32x3x16xi32> to vector<96x16xi32>
    %iota3A = tpu.iota {dimensions = array<i32: 0>} : vector<96x16xi32>
    %mul3A = arith.constant 16 : i32
    %mul3A_8 = vector.broadcast %mul3A : i32 to vector<96x16xi32>
    %mul3A_9 = arith.muli %iota3A, %mul3A_8 : vector<96x16xi32>
    %iota3A_10 = tpu.iota {dimensions = array<i32: 1>} : vector<96x16xi32>
    %add3A = arith.addi %mul3A_9, %iota3A_10 : vector<96x16xi32>
    %get3A_11 = arith.constant 0 : index
    %get3A_12 = arith.constant 0 : index
    %get3A_13 = arith.constant 0 : index
    %get3A_14 = vector.load %arg2[%get3A_11, %get3A_12, %get3A_13] : memref<20x1x2048xf32, #tpu.memory_space<vmem>>, vector<20x1x2048xf32>
    %reshape3A_15 = vector.shape_cast %get3A_14 : vector<20x1x2048xf32> to vector<20x2048xf32>
    %iota3A_16 = tpu.iota {dimensions = array<i32: 0>} : vector<20x2048xi32>
    %mul3A_17 = arith.constant 2048 : i32
    %mul3A_18 = vector.broadcast %mul3A_17 : i32 to vector<20x2048xi32>
    %mul3A_19 = arith.muli %iota3A_16, %mul3A_18 : vector<20x2048xi32>
    %iota3A_20 = tpu.iota {dimensions = array<i32: 1>} : vector<20x2048xi32>
    %add3A_21 = arith.addi %mul3A_19, %iota3A_20 : vector<20x2048xi32>
    %get3A_22 = arith.constant 0 : index
    %get3A_23 = arith.constant 0 : index
    %get3A_24 = vector.load %arg3[%get3A_22, %get3A_23] : memref<512x128xf32, #tpu.memory_space<vmem>>, vector<512x128xf32>
    %iota3A_25 = tpu.iota {dimensions = array<i32: 0>} : vector<512x128xi32>
    %mul3A_26 = arith.constant 128 : i32
    %mul3A_27 = vector.broadcast %mul3A_26 : i32 to vector<512x128xi32>
    %mul3A_28 = arith.muli %iota3A_25, %mul3A_27 : vector<512x128xi32>
    %iota3A_29 = tpu.iota {dimensions = array<i32: 1>} : vector<512x128xi32>
    %add3A_30 = arith.addi %mul3A_28, %iota3A_29 : vector<512x128xi32>
    %get3A_31 = arith.constant 0 : index
    %get3A_32 = arith.constant 0 : index
    %get3A_33 = vector.load %arg4[%get3A_31, %get3A_32] : memref<1x1xi32, #tpu.memory_space<vmem>>, vector<1x1xi32>
    %get3A_34 = vector.extract %get3A_33[0, 0] : i32 from vector<1x1xi32>
    %reduce_min3A = vector.shape_cast %reshape3A : vector<96x16xf32> to vector<1x96x16xf32>
    %reduce_min3A_35 = arith.constant dense<0x7F800000> : vector<1xf32>
    %reduce_min3A_36 = vector.multi_reduction <minimumf>, %reduce_min3A, %reduce_min3A_35 [1, 2] : vector<1x96x16xf32> to vector<1xf32>
    %reduce_min3A_37 = vector.shape_cast %reduce_min3A_36 : vector<1xf32> to vector<1x1x1xf32>
    %reduce_min3A_38 = vector.extract %reduce_min3A_37[0, 0, 0] : f32 from vector<1x1x1xf32>
    %reduce_min3A_39 = vector.shape_cast %reshape3A_15 : vector<20x2048xf32> to vector<1x20x2048xf32>
    %reduce_min3A_40 = arith.constant dense<0x7F800000> : vector<1xf32>
    %reduce_min3A_41 = vector.multi_reduction <minimumf>, %reduce_min3A_39, %reduce_min3A_40 [1, 2] : vector<1x20x2048xf32> to vector<1xf32>
    %reduce_min3A_42 = vector.shape_cast %reduce_min3A_41 : vector<1xf32> to vector<1x1x1xf32>
    %reduce_min3A_43 = vector.extract %reduce_min3A_42[0, 0, 0] : f32 from vector<1x1x1xf32>
    %le3A = arith.cmpf ole, %reduce_min3A_38, %reduce_min3A_43 : f32
    %select_n3A = arith.select %le3A, %reduce_min3A_38, %reduce_min3A_43 : f32
    %eq3A = vector.broadcast %reduce_min3A_38 : f32 to vector<96x16xf32>
    %eq3A_44 = arith.cmpf oeq, %reshape3A, %eq3A : vector<96x16xf32>
    %jit3A = arith.constant 1073741824 : i32
    %broadcast_in_dim3A = vector.broadcast %jit3A : i32 to vector<96x16xi32>
    %select_n3A_45 = arith.select %eq3A_44, %add3A, %broadcast_in_dim3A : vector<96x16xi1>, vector<96x16xi32>
    %reduce_min3A_46 = vector.shape_cast %select_n3A_45 : vector<96x16xi32> to vector<1x96x16xi32>
    %reduce_min3A_47 = arith.constant dense<2147483647> : vector<1xi32>
    %reduce_min3A_48 = vector.multi_reduction <minsi>, %reduce_min3A_46, %reduce_min3A_47 [1, 2] : vector<1x96x16xi32> to vector<1xi32>
    %reduce_min3A_49 = vector.shape_cast %reduce_min3A_48 : vector<1xi32> to vector<1x1x1xi32>
    %reduce_min3A_50 = vector.extract %reduce_min3A_49[0, 0, 0] : i32 from vector<1x1x1xi32>
    %eq3A_51 = vector.broadcast %reduce_min3A_50 : i32 to vector<96x16xi32>
    %eq3A_52 = arith.cmpi eq, %add3A, %eq3A_51 : vector<96x16xi32>
    %jit3A_53 = arith.constant 0 : i32
    %broadcast_in_dim3A_54 = vector.broadcast %jit3A_53 : i32 to vector<96x16xi32>
    %select_n3A_55 = arith.select %eq3A_52, %reshape3A_7, %broadcast_in_dim3A_54 : vector<96x16xi1>, vector<96x16xi32>
    %reduce_sum3A = vector.shape_cast %select_n3A_55 : vector<96x16xi32> to vector<1x96x16xi32>
    %reduce_sum3A_56 = arith.constant dense<0> : vector<1xi32>
    %reduce_sum3A_57 = vector.multi_reduction <add>, %reduce_sum3A, %reduce_sum3A_56 [1, 2] : vector<1x96x16xi32> to vector<1xi32>
    %reduce_sum3A_58 = vector.shape_cast %reduce_sum3A_57 : vector<1xi32> to vector<1x1x1xi32>
    %reduce_sum3A_59 = vector.extract %reduce_sum3A_58[0, 0, 0] : i32 from vector<1x1x1xi32>
    %eq3A_60 = vector.broadcast %reduce_min3A_43 : f32 to vector<20x2048xf32>
    %eq3A_61 = arith.cmpf oeq, %reshape3A_15, %eq3A_60 : vector<20x2048xf32>
    %jit3A_62 = arith.constant 1073741824 : i32
    %broadcast_in_dim3A_63 = vector.broadcast %jit3A_62 : i32 to vector<20x2048xi32>
    %select_n3A_64 = arith.select %eq3A_61, %add3A_21, %broadcast_in_dim3A_63 : vector<20x2048xi1>, vector<20x2048xi32>
    %reduce_min3A_65 = vector.shape_cast %select_n3A_64 : vector<20x2048xi32> to vector<1x20x2048xi32>
    %reduce_min3A_66 = arith.constant dense<2147483647> : vector<1xi32>
    %reduce_min3A_67 = vector.multi_reduction <minsi>, %reduce_min3A_65, %reduce_min3A_66 [1, 2] : vector<1x20x2048xi32> to vector<1xi32>
    %reduce_min3A_68 = vector.shape_cast %reduce_min3A_67 : vector<1xi32> to vector<1x1x1xi32>
    %reduce_min3A_69 = vector.extract %reduce_min3A_68[0, 0, 0] : i32 from vector<1x1x1xi32>
    %add3A_70 = arith.constant 24576 : i32
    %add3A_71 = arith.addi %add3A_70, %reduce_min3A_69 : i32
    %select_n3A_72 = arith.select %le3A, %reduce_sum3A_59, %add3A_71 : i32
    %max3A = arith.constant 0.000000e+00 : f32
    %max3A_73 = arith.maximumf %select_n3A, %max3A : f32
    %sqrt3A = math.sqrt %max3A_73 : f32
    %exp3A = math.exp %sqrt3A : f32
    %eq3A_74 = vector.broadcast %select_n3A_72 : i32 to vector<512x128xi32>
    %eq3A_75 = arith.cmpi eq, %add3A_30, %eq3A_74 : vector<512x128xi32>
    %jit3A_76 = arith.constant 0.000000e+00 : f32
    %broadcast_in_dim3A_77 = vector.broadcast %jit3A_76 : f32 to vector<512x128xf32>
    %select_n3A_78 = arith.select %eq3A_75, %get3A_24, %broadcast_in_dim3A_77 : vector<512x128xi1>, vector<512x128xf32>
    %reduce_sum3A_79 = vector.shape_cast %select_n3A_78 : vector<512x128xf32> to vector<1x512x128xf32>
    %reduce_sum3A_80 = arith.constant dense<0.000000e+00> : vector<1xf32>
    %reduce_sum3A_81 = vector.multi_reduction <add>, %reduce_sum3A_79, %reduce_sum3A_80 [1, 2] : vector<1x512x128xf32> to vector<1xf32>
    %reduce_sum3A_82 = vector.shape_cast %reduce_sum3A_81 : vector<1xf32> to vector<1x1x1xf32>
    %reduce_sum3A_83 = vector.extract %reduce_sum3A_82[0, 0, 0] : f32 from vector<1x1x1xf32>
    %gt3A = arith.constant 0 : i32
    %gt3A_84 = arith.cmpi sgt, %get3A_34, %gt3A : i32
    %mul3A_85 = arith.mulf %reduce_sum3A_83, %exp3A : f32
    %jit3A_86 = arith.constant 0.000000e+00 : f32
    %select_n3A_87 = arith.select %gt3A_84, %mul3A_85, %jit3A_86 : f32
    %add3A_88 = arith.constant 0.000000e+00 : f32
    %add3A_89 = arith.addf %add3A_88, %select_n3A_87 : f32
    %add3A_90 = arith.constant 0.000000e+00 : f32
    %add3A_91 = arith.addf %add3A_90, %exp3A : f32
    %eq3A_92 = vector.broadcast %reduce_min3A_50 : i32 to vector<96x16xi32>
    %eq3A_93 = arith.cmpi eq, %add3A, %eq3A_92 : vector<96x16xi32>
    %and3A = vector.broadcast %le3A : i1 to vector<96x16xi1>
    %and3A_94 = arith.andi %eq3A_93, %and3A : vector<96x16xi1>
    %jit3A_95 = arith.constant 0x7F800000 : f32
    %broadcast_in_dim3A_96 = vector.broadcast %jit3A_95 : f32 to vector<96x16xf32>
    %select_n3A_97 = arith.select %and3A_94, %broadcast_in_dim3A_96, %reshape3A : vector<96x16xi1>, vector<96x16xf32>
    %eq3A_98 = vector.broadcast %reduce_min3A_69 : i32 to vector<20x2048xi32>
    %eq3A_99 = arith.cmpi eq, %add3A_21, %eq3A_98 : vector<20x2048xi32>
    %not3A = arith.constant true
    %not3A_100 = arith.xori %le3A, %not3A : i1
    %and3A_101 = vector.broadcast %not3A_100 : i1 to vector<20x2048xi1>
    %and3A_102 = arith.andi %eq3A_99, %and3A_101 : vector<20x2048xi1>
    %jit3A_103 = arith.constant 0x7F800000 : f32
    %broadcast_in_dim3A_104 = vector.broadcast %jit3A_103 : f32 to vector<20x2048xf32>
    %select_n3A_105 = arith.select %and3A_102, %broadcast_in_dim3A_104, %reshape3A_15 : vector<20x2048xi1>, vector<20x2048xf32>
    %reduce_min3A_106 = vector.shape_cast %select_n3A_97 : vector<96x16xf32> to vector<1x96x16xf32>
    %reduce_min3A_107 = arith.constant dense<0x7F800000> : vector<1xf32>
    %reduce_min3A_108 = vector.multi_reduction <minimumf>, %reduce_min3A_106, %reduce_min3A_107 [1, 2] : vector<1x96x16xf32> to vector<1xf32>
    %reduce_min3A_109 = vector.shape_cast %reduce_min3A_108 : vector<1xf32> to vector<1x1x1xf32>
    %reduce_min3A_110 = vector.extract %reduce_min3A_109[0, 0, 0] : f32 from vector<1x1x1xf32>
    %reduce_min3A_111 = vector.shape_cast %select_n3A_105 : vector<20x2048xf32> to vector<1x20x2048xf32>
    %reduce_min3A_112 = arith.constant dense<0x7F800000> : vector<1xf32>
    %reduce_min3A_113 = vector.multi_reduction <minimumf>, %reduce_min3A_111, %reduce_min3A_112 [1, 2] : vector<1x20x2048xf32> to vector<1xf32>
    %reduce_min3A_114 = vector.shape_cast %reduce_min3A_113 : vector<1xf32> to vector<1x1x1xf32>
    %reduce_min3A_115 = vector.extract %reduce_min3A_114[0, 0, 0] : f32 from vector<1x1x1xf32>
    %le3A_116 = arith.cmpf ole, %reduce_min3A_110, %reduce_min3A_115 : f32
    %select_n3A_117 = arith.select %le3A_116, %reduce_min3A_110, %reduce_min3A_115 : f32
    %eq3A_118 = vector.broadcast %reduce_min3A_110 : f32 to vector<96x16xf32>
    %eq3A_119 = arith.cmpf oeq, %select_n3A_97, %eq3A_118 : vector<96x16xf32>
    %jit3A_120 = arith.constant 1073741824 : i32
    %broadcast_in_dim3A_121 = vector.broadcast %jit3A_120 : i32 to vector<96x16xi32>
    %select_n3A_122 = arith.select %eq3A_119, %add3A, %broadcast_in_dim3A_121 : vector<96x16xi1>, vector<96x16xi32>
    %reduce_min3A_123 = vector.shape_cast %select_n3A_122 : vector<96x16xi32> to vector<1x96x16xi32>
    %reduce_min3A_124 = arith.constant dense<2147483647> : vector<1xi32>
    %reduce_min3A_125 = vector.multi_reduction <minsi>, %reduce_min3A_123, %reduce_min3A_124 [1, 2] : vector<1x96x16xi32> to vector<1xi32>
    %reduce_min3A_126 = vector.shape_cast %reduce_min3A_125 : vector<1xi32> to vector<1x1x1xi32>
    %reduce_min3A_127 = vector.extract %reduce_min3A_126[0, 0, 0] : i32 from vector<1x1x1xi32>
    %eq3A_128 = vector.broadcast %reduce_min3A_127 : i32 to vector<96x16xi32>
    %eq3A_129 = arith.cmpi eq, %add3A, %eq3A_128 : vector<96x16xi32>
    %jit3A_130 = arith.constant 0 : i32
    %broadcast_in_dim3A_131 = vector.broadcast %jit3A_130 : i32 to vector<96x16xi32>
    %select_n3A_132 = arith.select %eq3A_129, %reshape3A_7, %broadcast_in_dim3A_131 : vector<96x16xi1>, vector<96x16xi32>
    %reduce_sum3A_133 = vector.shape_cast %select_n3A_132 : vector<96x16xi32> to vector<1x96x16xi32>
    %reduce_sum3A_134 = arith.constant dense<0> : vector<1xi32>
    %reduce_sum3A_135 = vector.multi_reduction <add>, %reduce_sum3A_133, %reduce_sum3A_134 [1, 2] : vector<1x96x16xi32> to vector<1xi32>
    %reduce_sum3A_136 = vector.shape_cast %reduce_sum3A_135 : vector<1xi32> to vector<1x1x1xi32>
    %reduce_sum3A_137 = vector.extract %reduce_sum3A_136[0, 0, 0] : i32 from vector<1x1x1xi32>
    %eq3A_138 = vector.broadcast %reduce_min3A_115 : f32 to vector<20x2048xf32>
    %eq3A_139 = arith.cmpf oeq, %select_n3A_105, %eq3A_138 : vector<20x2048xf32>
    %jit3A_140 = arith.constant 1073741824 : i32
    %broadcast_in_dim3A_141 = vector.broadcast %jit3A_140 : i32 to vector<20x2048xi32>
    %select_n3A_142 = arith.select %eq3A_139, %add3A_21, %broadcast_in_dim3A_141 : vector<20x2048xi1>, vector<20x2048xi32>
    %reduce_min3A_143 = vector.shape_cast %select_n3A_142 : vector<20x2048xi32> to vector<1x20x2048xi32>
    %reduce_min3A_144 = arith.constant dense<2147483647> : vector<1xi32>
    %reduce_min3A_145 = vector.multi_reduction <minsi>, %reduce_min3A_143, %reduce_min3A_144 [1, 2] : vector<1x20x2048xi32> to vector<1xi32>
    %reduce_min3A_146 = vector.shape_cast %reduce_min3A_145 : vector<1xi32> to vector<1x1x1xi32>
    %reduce_min3A_147 = vector.extract %reduce_min3A_146[0, 0, 0] : i32 from vector<1x1x1xi32>
    %add3A_148 = arith.constant 24576 : i32
    %add3A_149 = arith.addi %add3A_148, %reduce_min3A_147 : i32
    %select_n3A_150 = arith.select %le3A_116, %reduce_sum3A_137, %add3A_149 : i32
    %max3A_151 = arith.constant 0.000000e+00 : f32
    %max3A_152 = arith.maximumf %select_n3A_117, %max3A_151 : f32
    %sqrt3A_153 = math.sqrt %max3A_152 : f32
    %exp3A_154 = math.exp %sqrt3A_153 : f32
    %eq3A_155 = vector.broadcast %select_n3A_150 : i32 to vector<512x128xi32>
    %eq3A_156 = arith.cmpi eq, %add3A_30, %eq3A_155 : vector<512x128xi32>
    %jit3A_157 = arith.constant 0.000000e+00 : f32
    %broadcast_in_dim3A_158 = vector.broadcast %jit3A_157 : f32 to vector<512x128xf32>
    %select_n3A_159 = arith.select %eq3A_156, %get3A_24, %broadcast_in_dim3A_158 : vector<512x128xi1>, vector<512x128xf32>
    %reduce_sum3A_160 = vector.shape_cast %select_n3A_159 : vector<512x128xf32> to vector<1x512x128xf32>
    %reduce_sum3A_161 = arith.constant dense<0.000000e+00> : vector<1xf32>
    %reduce_sum3A_162 = vector.multi_reduction <add>, %reduce_sum3A_160, %reduce_sum3A_161 [1, 2] : vector<1x512x128xf32> to vector<1xf32>
    %reduce_sum3A_163 = vector.shape_cast %reduce_sum3A_162 : vector<1xf32> to vector<1x1x1xf32>
    %reduce_sum3A_164 = vector.extract %reduce_sum3A_163[0, 0, 0] : f32 from vector<1x1x1xf32>
    %gt3A_165 = arith.constant 1 : i32
    %gt3A_166 = arith.cmpi sgt, %get3A_34, %gt3A_165 : i32
    %mul3A_167 = arith.mulf %reduce_sum3A_164, %exp3A_154 : f32
    %jit3A_168 = arith.constant 0.000000e+00 : f32
    %select_n3A_169 = arith.select %gt3A_166, %mul3A_167, %jit3A_168 : f32
    %add3A_170 = arith.addf %add3A_89, %select_n3A_169 : f32
    %add3A_171 = arith.addf %add3A_91, %exp3A_154 : f32
    %eq3A_172 = vector.broadcast %reduce_min3A_127 : i32 to vector<96x16xi32>
    %eq3A_173 = arith.cmpi eq, %add3A, %eq3A_172 : vector<96x16xi32>
    %and3A_174 = vector.broadcast %le3A_116 : i1 to vector<96x16xi1>
    %and3A_175 = arith.andi %eq3A_173, %and3A_174 : vector<96x16xi1>
    %jit3A_176 = arith.constant 0x7F800000 : f32
    %broadcast_in_dim3A_177 = vector.broadcast %jit3A_176 : f32 to vector<96x16xf32>
    %select_n3A_178 = arith.select %and3A_175, %broadcast_in_dim3A_177, %select_n3A_97 : vector<96x16xi1>, vector<96x16xf32>
    %eq3A_179 = vector.broadcast %reduce_min3A_147 : i32 to vector<20x2048xi32>
    %eq3A_180 = arith.cmpi eq, %add3A_21, %eq3A_179 : vector<20x2048xi32>
    %not3A_181 = arith.constant true
    %not3A_182 = arith.xori %le3A_116, %not3A_181 : i1
    %and3A_183 = vector.broadcast %not3A_182 : i1 to vector<20x2048xi1>
    %and3A_184 = arith.andi %eq3A_180, %and3A_183 : vector<20x2048xi1>
    %jit3A_185 = arith.constant 0x7F800000 : f32
    %broadcast_in_dim3A_186 = vector.broadcast %jit3A_185 : f32 to vector<20x2048xf32>
    %select_n3A_187 = arith.select %and3A_184, %broadcast_in_dim3A_186, %select_n3A_105 : vector<20x2048xi1>, vector<20x2048xf32>
    %reduce_min3A_188 = vector.shape_cast %select_n3A_178 : vector<96x16xf32> to vector<1x96x16xf32>
    %reduce_min3A_189 = arith.constant dense<0x7F800000> : vector<1xf32>
    %reduce_min3A_190 = vector.multi_reduction <minimumf>, %reduce_min3A_188, %reduce_min3A_189 [1, 2] : vector<1x96x16xf32> to vector<1xf32>
    %reduce_min3A_191 = vector.shape_cast %reduce_min3A_190 : vector<1xf32> to vector<1x1x1xf32>
    %reduce_min3A_192 = vector.extract %reduce_min3A_191[0, 0, 0] : f32 from vector<1x1x1xf32>
    %reduce_min3A_193 = vector.shape_cast %select_n3A_187 : vector<20x2048xf32> to vector<1x20x2048xf32>
    %reduce_min3A_194 = arith.constant dense<0x7F800000> : vector<1xf32>
    %reduce_min3A_195 = vector.multi_reduction <minimumf>, %reduce_min3A_193, %reduce_min3A_194 [1, 2] : vector<1x20x2048xf32> to vector<1xf32>
    %reduce_min3A_196 = vector.shape_cast %reduce_min3A_195 : vector<1xf32> to vector<1x1x1xf32>
    %reduce_min3A_197 = vector.extract %reduce_min3A_196[0, 0, 0] : f32 from vector<1x1x1xf32>
    %le3A_198 = arith.cmpf ole, %reduce_min3A_192, %reduce_min3A_197 : f32
    %select_n3A_199 = arith.select %le3A_198, %reduce_min3A_192, %reduce_min3A_197 : f32
    %eq3A_200 = vector.broadcast %reduce_min3A_192 : f32 to vector<96x16xf32>
    %eq3A_201 = arith.cmpf oeq, %select_n3A_178, %eq3A_200 : vector<96x16xf32>
    %jit3A_202 = arith.constant 1073741824 : i32
    %broadcast_in_dim3A_203 = vector.broadcast %jit3A_202 : i32 to vector<96x16xi32>
    %select_n3A_204 = arith.select %eq3A_201, %add3A, %broadcast_in_dim3A_203 : vector<96x16xi1>, vector<96x16xi32>
    %reduce_min3A_205 = vector.shape_cast %select_n3A_204 : vector<96x16xi32> to vector<1x96x16xi32>
    %reduce_min3A_206 = arith.constant dense<2147483647> : vector<1xi32>
    %reduce_min3A_207 = vector.multi_reduction <minsi>, %reduce_min3A_205, %reduce_min3A_206 [1, 2] : vector<1x96x16xi32> to vector<1xi32>
    %reduce_min3A_208 = vector.shape_cast %reduce_min3A_207 : vector<1xi32> to vector<1x1x1xi32>
    %reduce_min3A_209 = vector.extract %reduce_min3A_208[0, 0, 0] : i32 from vector<1x1x1xi32>
    %eq3A_210 = vector.broadcast %reduce_min3A_209 : i32 to vector<96x16xi32>
    %eq3A_211 = arith.cmpi eq, %add3A, %eq3A_210 : vector<96x16xi32>
    %jit3A_212 = arith.constant 0 : i32
    %broadcast_in_dim3A_213 = vector.broadcast %jit3A_212 : i32 to vector<96x16xi32>
    %select_n3A_214 = arith.select %eq3A_211, %reshape3A_7, %broadcast_in_dim3A_213 : vector<96x16xi1>, vector<96x16xi32>
    %reduce_sum3A_215 = vector.shape_cast %select_n3A_214 : vector<96x16xi32> to vector<1x96x16xi32>
    %reduce_sum3A_216 = arith.constant dense<0> : vector<1xi32>
    %reduce_sum3A_217 = vector.multi_reduction <add>, %reduce_sum3A_215, %reduce_sum3A_216 [1, 2] : vector<1x96x16xi32> to vector<1xi32>
    %reduce_sum3A_218 = vector.shape_cast %reduce_sum3A_217 : vector<1xi32> to vector<1x1x1xi32>
    %reduce_sum3A_219 = vector.extract %reduce_sum3A_218[0, 0, 0] : i32 from vector<1x1x1xi32>
    %eq3A_220 = vector.broadcast %reduce_min3A_197 : f32 to vector<20x2048xf32>
    %eq3A_221 = arith.cmpf oeq, %select_n3A_187, %eq3A_220 : vector<20x2048xf32>
    %jit3A_222 = arith.constant 1073741824 : i32
    %broadcast_in_dim3A_223 = vector.broadcast %jit3A_222 : i32 to vector<20x2048xi32>
    %select_n3A_224 = arith.select %eq3A_221, %add3A_21, %broadcast_in_dim3A_223 : vector<20x2048xi1>, vector<20x2048xi32>
    %reduce_min3A_225 = vector.shape_cast %select_n3A_224 : vector<20x2048xi32> to vector<1x20x2048xi32>
    %reduce_min3A_226 = arith.constant dense<2147483647> : vector<1xi32>
    %reduce_min3A_227 = vector.multi_reduction <minsi>, %reduce_min3A_225, %reduce_min3A_226 [1, 2] : vector<1x20x2048xi32> to vector<1xi32>
    %reduce_min3A_228 = vector.shape_cast %reduce_min3A_227 : vector<1xi32> to vector<1x1x1xi32>
    %reduce_min3A_229 = vector.extract %reduce_min3A_228[0, 0, 0] : i32 from vector<1x1x1xi32>
    %add3A_230 = arith.constant 24576 : i32
    %add3A_231 = arith.addi %add3A_230, %reduce_min3A_229 : i32
    %select_n3A_232 = arith.select %le3A_198, %reduce_sum3A_219, %add3A_231 : i32
    %max3A_233 = arith.constant 0.000000e+00 : f32
    %max3A_234 = arith.maximumf %select_n3A_199, %max3A_233 : f32
    %sqrt3A_235 = math.sqrt %max3A_234 : f32
    %exp3A_236 = math.exp %sqrt3A_235 : f32
    %eq3A_237 = vector.broadcast %select_n3A_232 : i32 to vector<512x128xi32>
    %eq3A_238 = arith.cmpi eq, %add3A_30, %eq3A_237 : vector<512x128xi32>
    %jit3A_239 = arith.constant 0.000000e+00 : f32
    %broadcast_in_dim3A_240 = vector.broadcast %jit3A_239 : f32 to vector<512x128xf32>
    %select_n3A_241 = arith.select %eq3A_238, %get3A_24, %broadcast_in_dim3A_240 : vector<512x128xi1>, vector<512x128xf32>
    %reduce_sum3A_242 = vector.shape_cast %select_n3A_241 : vector<512x128xf32> to vector<1x512x128xf32>
    %reduce_sum3A_243 = arith.constant dense<0.000000e+00> : vector<1xf32>
    %reduce_sum3A_244 = vector.multi_reduction <add>, %reduce_sum3A_242, %reduce_sum3A_243 [1, 2] : vector<1x512x128xf32> to vector<1xf32>
    %reduce_sum3A_245 = vector.shape_cast %reduce_sum3A_244 : vector<1xf32> to vector<1x1x1xf32>
    %reduce_sum3A_246 = vector.extract %reduce_sum3A_245[0, 0, 0] : f32 from vector<1x1x1xf32>
    %gt3A_247 = arith.constant 2 : i32
    %gt3A_248 = arith.cmpi sgt, %get3A_34, %gt3A_247 : i32
    %mul3A_249 = arith.mulf %reduce_sum3A_246, %exp3A_236 : f32
    %jit3A_250 = arith.constant 0.000000e+00 : f32
    %select_n3A_251 = arith.select %gt3A_248, %mul3A_249, %jit3A_250 : f32
    %add3A_252 = arith.addf %add3A_170, %select_n3A_251 : f32
    %add3A_253 = arith.addf %add3A_171, %exp3A_236 : f32
    %div3A = arith.divf %add3A_252, %add3A_253 : f32
    %broadcast_in_dim3A_254 = vector.broadcast %div3A : f32 to vector<1x1xf32>
    %swap3A = arith.constant 0 : index
    %swap3A_255 = arith.constant 0 : index
    %swap3A_256 = vector.load %arg5[%swap3A, %swap3A_255] : memref<1x1xf32, #tpu.memory_space<vmem>>, vector<1x1xf32>
    tpu.vector_store %arg5[%swap3A, %swap3A_255], %broadcast_in_dim3A_254 {strides = array<i32>} : memref<1x1xf32, #tpu.memory_space<vmem>>, vector<1x1xf32>,
    return
  }
}

module attributes {stable_mosaic.version = 14 : i64} {
  func.func @_tc_dist_body(%arg0: i32, %arg1: memref<1x512xf32, #tpu.memory_space<vmem>>, %arg2: memref<2048x512xf32, #tpu.memory_space<vmem>>, %arg3: memref<1x1x2048xf32, #tpu.memory_space<vmem>>) attributes {dimension_semantics = [#tpu.dimension_semantics<arbitrary>], iteration_bounds = array<i64: 20>, scalar_prefetch = 0 : i64, scratch_operands = 0 : i64, tpu.core_type = #tpu.core_type<tc>, window_params = [{pipeline_mode = #tpu.pipeline_mode<synchronous>, transform_indices = @transform_0, window_bounds = array<i64: 1, 512>}, {transform_indices = @transform_1, window_bounds = array<i64: 2048, 512>}, {transform_indices = @transform_2, window_bounds = array<i64: 1, 1, 2048>}]} {
    %get3A = arith.constant 0 : index
    %get3A_0 = arith.constant 0 : index
    %get3A_1 = vector.load %arg2[%get3A, %get3A_0] : memref<2048x512xf32, #tpu.memory_space<vmem>>, vector<2048x512xf32>
    %get3A_2 = arith.constant 0 : index
    %get3A_3 = arith.constant 0 : index
    %get3A_4 = vector.load %arg1[%get3A_2, %get3A_3] : memref<1x512xf32, #tpu.memory_space<vmem>>, vector<1x512xf32>
    %sub3A = vector.broadcast %get3A_4 : vector<1x512xf32> to vector<2048x512xf32>
    %sub3A_5 = arith.subf %get3A_1, %sub3A : vector<2048x512xf32>
    %mul3A = arith.mulf %sub3A_5, %sub3A_5 : vector<2048x512xf32>
    %reduce_sum3A = arith.constant dense<0.000000e+00> : vector<2048xf32>
    %reduce_sum3A_6 = vector.multi_reduction <add>, %mul3A, %reduce_sum3A [1] : vector<2048x512xf32> to vector<2048xf32>
    %broadcast_in_dim3A = vector.shape_cast %reduce_sum3A_6 : vector<2048xf32> to vector<2048x1xf32>
    %reshape3A = vector.shape_cast %broadcast_in_dim3A : vector<2048x1xf32> to vector<1x1x2048xf32>
    %swap3A = arith.constant 0 : index
    %swap3A_7 = arith.constant 0 : index
    %swap3A_8 = arith.constant 0 : index
    %swap3A_9 = vector.load %arg3[%swap3A, %swap3A_7, %swap3A_8] : memref<1x1x2048xf32, #tpu.memory_space<vmem>>, vector<1x1x2048xf32>
    tpu.vector_store %arg3[%swap3A, %swap3A_7, %swap3A_8], %reshape3A {strides = array<i32>} : memref<1x1x2048xf32, #tpu.memory_space<vmem>>, vector<1x1x2048xf32>,
    return
  }
  func.func @transform_0(%arg0: i32) -> (i32, i32) {
    %c0_i32 = arith.constant 0 : i32
    %c0_i32_0 = arith.constant 0 : i32
    %c0_i32_1 = arith.constant 0 : i32
    return %c0_i32, %c0_i32_0 : i32, i32
  }
  func.func @transform_1(%arg0: i32) -> (i32, i32) {
    %add3A = arith.constant 12 : i32
    %add3A_0 = arith.addi %arg0, %add3A : i32
    %c0_i32 = arith.constant 0 : i32
    %c0_i32_1 = arith.constant 0 : i32
    return %add3A_0, %c0_i32 : i32, i32
  }
  func.func @transform_2(%arg0: i32) -> (i32, i32, i32) {
    %c0_i32 = arith.constant 0 : i32
    %c0_i32_0 = arith.constant 0 : i32
    %c0_i32_1 = arith.constant 0 : i32
    return %arg0, %c0_i32, %c0_i32_0 : i32, i32, i32
  }
}

</mosaic_0001>

<sc_bundles>
// kernel: kernel.5.cloned.1.call-start
scs
__scs_entry_jumppad:
0x0: {  	(pc) =	sbr.rel $0x88, $3  }
0x1: {  	(tag) =	ssettag $0x0;
	lr =	simm.s32 $0x1  }
0x2: {  	[smem:$0x3F9D] =	sst lr;
	_ =	strace $0xD0000000  }
0x3: {  	_ = 	snop  }
0x4: {  	_ = 	snop  }
0x5: {  	_ = 	snop  }
0x6: {  	_ = 	snop  }
0x7: {  	_ = 	snop  }
__scs_overlays_trampoline_lowered:
0x8: {  	[smem:$0x3FAC] =	sst s0  }
0x9: {  	[smem:$0x3FAD] =	sst s1  }
0xa: {  	[smem:$0x3FAE] =	sst s2  }
0xb: {  	[smem:$0x3FAF] =	sst s3  }
0xc: {  	[smem:$0x3FB0] =	sst s4  }
0xd: {  	[smem:$0x3FB1] =	sst s5  }
0xe: {  	[smem:$0x3FB2] =	sst s6  }
0xf: {  	[smem:$0x3FB3] =	sst s7  }
0x10: {  	[smem:$0x3FB4] =	sst s8  }
0x11: {  	[smem:$0x3FB5] =	sst s9;
	s0 =	simm.s32 @!p0 $0x0  }
0x12: {  	s1 =	sld [smem:$0x3F9B];
	s0 =	simm.s32 @p0 $0x1  }
0x13: {  	[smem:$0x3FB6] =	sst s0;
	s0 =	simm.s32 @!p1 $0x0  }
0x14: {  	s2 =	sld [smem:$0x3F9A];
	s0 =	simm.s32 @p1 $0x1  }
0x15: {  	[smem:$0x3FB7] =	sst s0;
	s0 =	simm.s32 @!p2 $0x0  }
0x16: {  	s3 =	sld [smem:$0x3FDB];
	s0 =	simm.s32 @p2 $0x1  }
0x17: {  	s4 =	simm.s32 $0x1BF5;
	[smem:$0x3FB9] =	sst s0  }
0x18: {  	s0 =	sld [smem:$0x3F9C];
	_ =	swait.ge [sflag:s4], $0x0  }
0x19: {  	s7 =	sld [smem:$0x3F9D]  }
0x1a: {  	s8 =	sadd.s32 $0xFFFFE003, lr  }
0x1b: {  	s9 =	sadd.s32 $0xFFFFFEF7, lr;
	s5 =	simm.s32 $0xFFFFFFFF;
	p2 =	slt.u32 s8, $0xFFFFF086  }
0x1c: {  	p1 =	slt.u32 s9, $0xF7A;
	s5 =	simm.s32 @!p2 $0x0  }
0x1d: {  	s5 =	simm.s32 @p1 $0x1;
	p0 =	seq.s32 s7, s2  }
0x1e: {  	s7 =	smul.u32 @!p0 $0xF7A, s2;
	p2 =	seq.s32 @!p0 s5, $0x0  }
0x1f: {  	s9 =	smul.u32 $0xF7A, s1;
	s8 =	simm.s32 @!p0 $0x1BF5;
	p2 =	por !p2, p0  }
0x20: {  	[sflag:s8] =	ssyncset.s32 @!p0 $0xFFFFF086;
	s6 =	sadd.s32 @!p0 s3, s7;
	s7 =	simm.s32 @!p0 $0x108  }
0x21: {  	s3 =	sadd.s32 s3, s9;
	s6 =	sadd.s32 @!p0 $0x88, s6;
	s7 =	simm.s32 @p2 $0x1082  }
0x22: {  	[simem:s7], [sflag:s8] =	dma.local @!p0 [hbm:s6], $0xF7A  }
0x23: {  	s9 =	sor.u32 $0xD0000000, s2;
	s6 =	simm.s32 $0x108;
	_ =	swait.ge @!p0 [sflag:s8], $0x0  }
0x24: {  	s3 =	sadd.s32 $0x88, s3;
	s6 =	simm.s32 @!p1 $0x1082;
	[sflag:s4] =	ssyncset.s32 $0xFFFFF086  }
0x25: {  	[simem:s6], [sflag:s4] =	dma.local [hbm:s3], $0xF7A  }
0x26: {  	[smem:$0x3F9D] =	sst s1;
	(tag) =	ssettag s2;
	_ =	strace s9  }
0x27: {  	s1 =	sld [smem:$0x3FAD]  }
0x28: {  	s2 =	sld [smem:$0x3FAE]  }
0x29: {  	s4 =	sld [smem:$0x3FB0]  }
0x2a: {  	p0 =	seq.s32 s5, $0x0;
	s5 =	sld [smem:$0x3FB1]  }
0x2b: {  	s6 =	sld [smem:$0x3FB2]  }
0x2c: {  	s7 =	sld [smem:$0x3FB3]  }
0x2d: {  	s3 =	simm.s32 $0x108;
	s8 =	sld [smem:$0x3FB4]  }
0x2e: {  	s3 =	simm.s32 @!p0 $0x1082;
	s9 =	sld [smem:$0x3FB5]  }
0x2f: {  	lr =	sadd.s32 s0, s3;
	s0 =	sld [smem:$0x3FAC]  }
0x30: {  	s3 =	sld [smem:$0x3FAF]  }
0x31: {  	[smem:$0x3FB8] =	sst s10  }
0x32: {  	s10 =	sld [smem:$0x3FB6];
	_ =	sdelay $0x3  }
0x33: {  	p0 =	seq.s32 s10, $0x1;
	s10 =	sld [smem:$0x3FB8];
	_ =	sdelay $0x3  }
0x34: {  	[smem:$0x3FB8] =	sst s10  }
0x35: {  	s10 =	sld [smem:$0x3FB7];
	_ =	sdelay $0x3  }
0x36: {  	p1 =	seq.s32 s10, $0x1;
	s10 =	sld [smem:$0x3FB8];
	_ =	sdelay $0x3  }
0x37: {  	[smem:$0x3FB8] =	sst s10  }
0x38: {  	s10 =	sld [smem:$0x3FB9]  }
0x39: {  	_ = 	snop;
	(pc) =	sbr.ind lr, $3  }
0x3a: {  	_ = 	snop  }
0x3b: {  	_ = 	snop  }
0x3c: {  	p2 =	seq.s32 s10, $0x1;
	s10 =	sld [smem:$0x3FB8]  }
0x3d: {  	_ =	shalt  }
0x3e: {  	_ =	shalt  }
0x3f: {  	_ =	shalt  }
0x40: {  	_ =	shalt  }
0x41: {  	_ =	shalt  }
0x42: {  	_ =	shalt  }
0x43: {  	_ =	shalt  }
0x44: {  	_ =	shalt  }
0x45: {  	_ =	shalt  }
0x46: {  	_ =	shalt  }
0x47: {  	_ =	shalt  }
0x48: {  	_ =	shalt  }
0x49: {  	_ =	shalt  }
0x4a: {  	_ =	shalt  }
0x4b: {  	_ =	shalt  }
0x4c: {  	_ =	shalt  }
0x4d: {  	_ =	shalt  }
0x4e: {  	_ =	shalt  }
0x4f: {  	_ =	shalt  }
0x50: {  	_ =	shalt  }
0x51: {  	_ =	shalt  }
0x52: {  	_ =	shalt  }
0x53: {  	_ =	shalt  }
0x54: {  	_ =	shalt  }
0x55: {  	_ =	shalt  }
0x56: {  	_ =	shalt  }
0x57: {  	_ =	shalt  }
0x58: {  	_ =	shalt  }
0x59: {  	_ =	shalt  }
0x5a: {  	_ =	shalt  }
0x5b: {  	_ =	shalt  }
0x5c: {  	_ =	shalt  }
0x5d: {  	_ =	shalt  }
0x5e: {  	_ =	shalt  }
0x5f: {  	_ =	shalt  }
0x60: {  	_ =	shalt  }
0x61: {  	_ =	shalt  }
0x62: {  	_ =	shalt  }
0x63: {  	_ =	shalt  }
0x64: {  	_ =	shalt  }
0x65: {  	_ =	shalt  }
0x66: {  	_ =	shalt  }
0x67: {  	_ =	shalt  }
0x68: {  	_ =	shalt  }
0x69: {  	_ =	shalt  }
0x6a: {  	_ =	shalt  }
0x6b: {  	_ =	shalt  }
0x6c: {  	_ =	shalt  }
0x6d: {  	_ =	shalt  }
0x6e: {  	_ =	shalt  }
0x6f: {  	_ =	shalt  }
0x70: {  	_ =	shalt  }
0x71: {  	_ =	shalt  }
0x72: {  	_ =	shalt  }
0x73: {  	_ =	shalt  }
0x74: {  	_ =	shalt  }
0x75: {  	_ =	shalt  }
0x76: {  	_ =	shalt  }
0x77: {  	_ =	shalt  }
0x78: {  	_ =	shalt  }
0x79: {  	_ =	shalt  }
0x7a: {  	_ =	shalt  }
0x7b: {  	_ =	shalt  }
0x7c: {  	_ =	shalt  }
0x7d: {  	_ =	shalt  }
0x7e: {  	_ =	shalt  }
0x7f: {  	_ =	shalt  }
0x80: {  	_ =	shalt  }
0x81: {  	_ =	shalt  }
0x82: {  	_ =	shalt  }
0x83: {  	_ =	shalt  }
0x84: {  	_ =	shalt  }
0x85: {  	_ =	shalt  }
0x86: {  	_ =	shalt  }
0x87: {  	_ =	shalt  }
.Lfunc_end0:
.L_simem_size_0:
called_computation_lowered:
.L_overlay_start_0:
0x88: {  	s2 =	sld [smem:$0x3FD9]  }
0x89: {  	s3 =	sld [smem:$0x3FFE];
	_ =	sdelay $0x1  }
0x8a: {  	s1 =	srdreg.scid  }
0x8b: {  	s0 =	sand.u32 $0x1, s1  }
0x8c: {  	s17 =	sshll.u32 s0, $0xA;
	s2 =	sadd.s32 s3, s2  }
0x8d: {  	s2 =	sadd.s32 s2, s17  }
0x8e: {  	[smem:$0x3FC4] =	sst s2  }
0x8f: {  	_ = 	snop  }
0x90: {  	s2 =	sld [smem:$0x3FC9]  }
0x91: {  	s18 =	sld [smem:$0x3FC8];
	(tm) =	ssettm $0x1  }
0x92: {  	s4 =	sld [smem:$0x3FFB];
	_ =	sdelay $0x3  }
0x93: {  	_ =	strace s4  }
0x94: {  	s4 =	sld [smem:$0x3FFC];
	_ =	sdelay $0x3  }
0x95: {  	_ =	strace s4  }
0x96: {  	s4 =	sld [smem:$0x3FFD];
	_ =	sdelay $0x3  }
0x97: {  	_ =	strace s4  }
0x98: {  	_ =	strace $0x8FFFFFFF  }
0x99: {  	s19 =	sld [smem:$0x3FDB];
	_ =	sdelay $0x1  }
0x9a: {  	s5 =	simm.s32 $_scs_section_size  }
0x9b: {  	s6 =	simm.s32 $_size__tile_overlayer_lowered;
	s7 =	simm.s32 $_tile_overlayer_lowered  }
0x9c: {  	s22 =	simm.s32 $0x1BFF;
	s21 =	sshll.u32 s7, $0x1;
	s4 =	sadd.s32 s5, s19  }
0x9d: {  	s8 =	simm.s32 $0x0;
	s20 =	sshll.u32 s6, $0x1;
	s6 =	sadd.s32 s21, s4  }
0x9e: {  	[timem:s8], [sflag:s22] =	dma.local [hbm:s6], s20  }
0x9f: {  	_ =	swait.ge [sflag:s22], s20  }
0xa0: {  	s5 =	ssub.s32 $0x0, s20;
	[sflag:s22] =	ssyncset.done $0x0  }
0xa1: {  	[sflag:s22] =	ssyncadd.s32 s5;
	_ =	sdelay $0x1  }
0xa2: {  	s23 =	simm.s32 $0x1B8B  }
0xa3: {  	_ =	swait.ge [sflag:s23], $0x1  }
0xa4: {  	[sflag:s23] =	ssyncset.done $0x0  }
0xa5: {  	s25 =	simm.s32 $0x1B8E;
	s24 =	sld [smem:$0x3FFE];
	[sflag:s23] =	ssyncadd.s32 $0xFFFFFFFF  }
0xa6: {  	s26 =	simm.s32 $execute0_lowered;
	[smem:$0x3FD2] =	sst s25  }
0xa7: {  	s6 =	sshll.u32 s26, $0x1;
	_ =	strace $0x80000046;
	[dreg:$0x1] =	wrdreg $0xFFFFFFFF  }
0xa8: {  	s28 =	simm.s32 $_size_execute0_lowered;
	s4 =	sadd.s32 s4, s6;
	[dreg:$0x0] =	wrdreg $0x0  }
0xa9: {  	s6 =	sshll.u32 s28, $0x1;
	[dreg:$0x2] =	wrdreg s4  }
0xaa: {  	[dreg:$0x3] =	wrdreg s6  }
0xab: {  	[dreg:$0x4] =	wrdreg $0xC0  }
0xac: {  	_ =	task [dreg:s8], $0x5FFFF  }
0xad: {  	[dreg:$0x1] =	wrdreg $0xFFFFFFFF  }
0xae: {  	[dreg:$0x0] =	wrdreg $0x60  }
0xaf: {  	[dreg:$0x2] =	wrdreg s2  }
0xb0: {  	[dreg:$0x3] =	wrdreg s18  }
0xb1: {  	[dreg:$0x4] =	wrdreg s24  }
0xb2: {  	[dreg:$0x5] =	wrdreg $0x9  }
0xb3: {  	_ =	task.clear_ibuf [dreg:s8], $0x6FFFF;
	_ =	strace $0x90000046  }
0xb4: {  	s29 =	simm.s32 $0x9;
	_ =	strace $0x80000048  }
0xb5: {  	_ =	swait.ge [sflag:s29], $0x1  }
0xb6: {  	[sflag:s29] =	ssyncadd.s32 $0xFFFFFFFF  }
0xb7: {  	_ =	strace $0x90000048  }
0xb8: {  	_ =	sfence  }
0xb9: {  	s30 =	sld [smem:$0x0];
	_ =	sdelay $0x2  }
0xba: {  	s31 =	sshll.u32 s1, $0xD;
	s1 =	sshrl.u32 s1, $0x2  }
0xbb: {  	s3 =	sand.u32 $0x4000, s31;
	s1 =	sadd.s32 s1, s30  }
0xbc: {  	s0 =	sor.u32 s3, s0;
	s1 =	sshll.u32 s1, $0x11  }
0xbd: {  	s0 =	sor.u32 s1, s0  }
0xbe: {  	s0 =	sadd.s32 $0x8F2B, s0  }
0xbf: {  	[sflag:s0] =	ssyncadd.remote.s32 $0x1  }
0xc0: {  	_ =	sfence.sel $0xFFFF  }
0xc1: {  	[dreg:$0x0] =	wrdreg $0xFFFFFFFF;
	(pc) =	sbr.abs _section_cstart, $3  }
0xc2: {  	[dreg:$0x1] =	wrdreg $0xFFFFFFFF  }
0xc3: {  	_ =	task.clear_ibuf [dreg:s8], $0x2FFFF;
	_ =	strace $0x9FFFFFFF  }
0xc4: {  	(tm) =	ssettm $0x7FFFFFFF  }
0xc5: {  	_ =	shalt  }
tec
execute0_lowered:
.L_overlay_start_1:
0x0: {  	(tag) =	ssettag $0x1  }
0x1: {  	v0 =	vimm.s32 $0x1380;
	vm14 =	vcmask $0x300;
	vm13 =	vcmask $0x704  }
0x2: {  	vm12 =	vcmask $0xB08;
	vm11 =	vcmask $0xF0C;
	vm10 =	vcmask $0x1310  }
0x3: {  	vm9 =	vcmask $0x1714;
	vm8 =	vcmask $0x1B18;
	vm7 =	vcmask $0x1F1C  }
0x4: {  	vm6 =	vcmask $0x2320;
	vm5 =	vcmask $0x2724;
	vm4 =	vcmask $0x2B28  }
0x5: {  	vm3 =	vcmask $0x2F2C;
	vm2 =	vcmask $0x3330;
	vm1 =	vcmask $0x3734  }
0x6: {  	vm0 =	vcmask $0x3B38;
	v3 =	vimm.s32 $0x3380;
	v4 =	vimm.s32 $0x5380  }
0x7: {  	v5 =	vimm.s32 $0x7380;
	v0 =	vsel vm14, $0x0, v0;
	v3 =	vsel vm14, $0x2000, v3  }
0x8: {  	v4 =	vsel vm14, $0x4000, v4;
	v5 =	vsel vm14, $0x6000, v5;
	v0 =	vsel vm13, $0x80, v0  }
0x9: {  	v3 =	vsel vm13, $0x2080, v3;
	v4 =	vsel vm13, $0x4080, v4;
	v5 =	vsel vm13, $0x6080, v5  }
0xa: {  	v0 =	vsel vm12, $0x100, v0;
	v3 =	vsel vm12, $0x2100, v3;
	v4 =	vsel vm12, $0x4100, v4  }
0xb: {  	v5 =	vsel vm12, $0x6100, v5;
	v0 =	vsel vm11, $0x180, v0;
	v3 =	vsel vm11, $0x2180, v3  }
0xc: {  	v4 =	vsel vm11, $0x4180, v4;
	v5 =	vsel vm11, $0x6180, v5;
	v0 =	vsel vm10, $0x200, v0  }
0xd: {  	v3 =	vsel vm10, $0x2200, v3;
	v4 =	vsel vm10, $0x4200, v4;
	v5 =	vsel vm10, $0x6200, v5  }
0xe: {  	s1 =	rddreg [dreg:$0x1];
	v0 =	vsel vm9, $0x280, v0;
	v3 =	vsel vm9, $0x2280, v3;
	v4 =	vsel vm9, $0x4280, v4  }
0xf: {  	s5 =	rddreg [dreg:$0x2];
	v5 =	vsel vm9, $0x6280, v5;
	v0 =	vsel vm8, $0x300, v0;
	v3 =	vsel vm8, $0x2300, v3  }
0x10: {  	s6 =	srdreg.scid;
	s0 =	stileid.u32;
	s4 =	simm.s32 $0x0;
	v4 =	vsel vm8, $0x4300, v4;
	v5 =	vsel vm8, $0x6300, v5;
	v0 =	vsel vm7, $0x380, v0  }
0x11: {  	s16 =	simm.s32 $0x3;
	s17 =	simm.s32 $0x200;
	s18 =	simm.s32 $0x4200;
	v3 =	vsel vm7, $0x2380, v3;
	v4 =	vsel vm7, $0x4380, v4;
	v5 =	vsel vm7, $0x6380, v5  }
0x12: {  	s19 =	simm.s32 $0x8200;
	s20 =	simm.s32 $0xC200;
	s21 =	simm.s32 $0x1;
	v0 =	vsel vm6, $0x1000, v0;
	v3 =	vsel vm6, $0x3000, v3;
	v4 =	vsel vm6, $0x5000, v4  }
0x13: {  	s22 =	simm.s32 $0x2;
	s23 =	simm.s32 $0x10200;
	s24 =	simm.s32 $0x10400;
	v5 =	vsel vm6, $0x7000, v5;
	v0 =	vsel vm5, $0x1080, v0;
	v3 =	vsel vm5, $0x3080, v3  }
0x14: {  	s25 =	simm.s32 $0x0;
	s6 =	sand.u32 $0x1, s6;
	s7 =	sshll.u32 s0, $0x1;
	v4 =	vsel vm5, $0x5080, v4;
	v5 =	vsel vm5, $0x7080, v5;
	v0 =	vsel vm4, $0x1100, v0  }
0x15: {  	[smem:$0x7FF] =	sst s4;
	s7 =	sor.u32 s6, s7;
	s6 =	ssub.s32 $0x2, s6;
	v3 =	vsel vm4, $0x3100, v3;
	v4 =	vsel vm4, $0x5100, v4;
	v5 =	vsel vm4, $0x7100, v5  }
0x16: {  	_ =	strace $0x80000047;
	s8 =	sshll.u32 s7, $0x6;
	s10 =	smul.u32 $0xC000, s7;
	v0 =	vsel vm3, $0x1180, v0;
	v3 =	vsel vm3, $0x3180, v3;
	v4 =	vsel vm3, $0x5180, v4  }
.Ltmp0:
0x17: {  	s9 =	sshrl.u32 s6, $0x1;
	s14 =	sadd.s32 s8, s5;
	v5 =	vsel vm3, $0x7180, v5;
	v1 =	vsel vm2, $0x1200, v0;
	v0 =	vlaneseq.u32;
	(pc) =	sbr.rel .LBB2_1-.Ltmp0, $4  }
0x18: {  	s15 =	ssub.s32 s6, s9;
	s5 =	smul.u32 $0x300, s7;
	s7 =	sadd.s32 $0x800, s1;
	v3 =	vsel vm2, $0x3200, v3;
	v4 =	vsel vm2, $0x5200, v4;
	v5 =	vsel vm2, $0x7200, v5  }
0x19: {  	s6 =	sadd.s32 s1, s10;
	s8 =	sadd.s32 s10, s7;
	s13 =	sadd.s32 $0x1000, s14;
	v2 =	vsel vm1, $0x1280, v1;
	v1 =	vmul.u32 $0x11, v0;
	v3 =	vsel vm1, $0x3280, v3  }
0x1a: {  	s14 =	sadd.s32 $0x1800, s14;
	s15 =	smax.u32 s15, $0x1;
	s9 =	sadd.s32 $0x1000, s6;
	v4 =	vsel vm1, $0x5280, v4;
	v5 =	vsel vm1, $0x7280, v5;
	v2 =	vsel vm0, $0x1300, v2  }
0x1b: {  	s10 =	sadd.s32 $0x1800, s6;
	s11 =	sor.u32 $0x80, s5;
	s12 =	sor.u32 $0xC0, s5;
	v3 =	vsel vm0, $0x3300, v3;
	v4 =	vsel vm0, $0x5300, v4;
	v5 =	vsel vm0, $0x7300, v5  }
.LBB2_8:
0x1c: {  	[tilespmem:$0x10200] =	vst v11  }
0x1d: {  	[tilespmem:$0x10280] =	vst v8  }
0x1e: {  	[tilespmem:$0x10300] =	vst v10  }
0x1f: {  	[tilespmem:$0x10400] =	vst v6  }
0x20: {  	[tilespmem:$0x10480] =	vst v7  }
0x21: {  	[tilespmem:$0x10500] =	vst v9  }
0x22: {  	[hbm4b:s13+s4] =	stream.linear.scatter [tilespmem:s23], [sflag:$0x3], $0x180, $0x38;
	[tilespmem:$0x10600] =	vst v63  }
0x23: {  	s25 =	sadd.s32 $0x1, s25;
	_ =	swait.ge [sflag:s16], $0x180  }
0x24: {  	p0 =	sne.s32 s25, s15;
	[sflag:s16] =	ssyncset.done $0x0  }
.Ltmp1:
0x25: {  	[sflag:s16] =	ssyncadd.s32 $0xFFFFFE80;
	(pc) =	sbr.rel @!p0 .LBB2_9-.Ltmp1, $4  }
0x26: {  	[hbm4b:s14+s4] =	stream.linear.scatter [tilespmem:s24], [sflag:$0x3], $0x180, $0x38;
	[tilespmem:$0x10600] =	vst v63  }
0x27: {  	_ =	swait.ge [sflag:s16], $0x180  }
0x28: {  	[sflag:s16] =	ssyncset.done $0x0  }
0x29: {  	[sflag:s16] =	ssyncadd.s32 $0xFFFFFE80  }
.LBB2_1:
0x2a: {  	s0 =	rddreg [dreg:$0x0]  }
0x2b: {  	[tilespmem:s4], [sflag:$0x3] =	stream.linear.gather [hbm4b:s0+s4], $0x200, $0x38;
	[tilespmem:$0x10600] =	vst v63  }
0x2c: {  	_ =	swait.ge [sflag:s16], $0x200  }
0x2d: {  	[sflag:s16] =	ssyncset.done $0x0  }
0x2e: {  	[sflag:s16] =	ssyncadd.s32 $0xFFFFFE00  }
0x2f: {  	[tilespmem:s17], [sflag:$0x1] =	stream.linear.gather [hbm4b:s6+s4], $0x4000, $0x38;
	[tilespmem:$0x10600] =	vst v63  }
0x30: {  	_ = 	snop  }
0x31: {  	[tilespmem:s18], [sflag:$0x1] =	stream.linear.gather [hbm4b:s8+s4], $0x4000, $0x38;
	[tilespmem:$0x10600] =	vst v63  }
0x32: {  	_ = 	snop  }
0x33: {  	[tilespmem:s19], [sflag:$0x2] =	stream.linear.gather [hbm4b:s9+s4], $0x4000, $0x38;
	[tilespmem:$0x10600] =	vst v63  }
0x34: {  	v10 =	vimm.f32 $+Inf;
	v9 =	vimm.s32 $0x0;
	v7 =	vimm.s32 $0x0;
	s26 =	simm.s32 $0x0  }
0x35: {  	v6 =	vimm.s32 $0x0;
	v8 =	vimm.f32 $+Inf;
	v11 =	vimm.f32 $+Inf;
	[tilespmem:s20], [sflag:$0x2] =	stream.linear.gather [hbm4b:s10+s4], $0x4000, $0x38;
	[tilespmem:$0x10600] =	vst v63  }
.LBB2_2:
0x36: {  	s28 =	simm.s32 $0x7;
	s29 =	simm.s32 $0x1;
	s30 =	simm.s32 $0x3  }
0x37: {  	s31 =	simm.s32 $0x4;
	s3 =	simm.s32 $0x2;
	v12 =	vadd.s32 s28, v1;
	v13 =	vadd.s32 s29, v1;
	v14 =	vadd.s32 s30, v1  }
0x38: {  	_ =	swait.ge [sflag:s21], $0x4000;
	v16 =	vadd.s32 s31, v1;
	v22 =	vadd.s32 s3, v1;
	v17 =	vand.u32 $0x1FF, v13  }
0x39: {  	[sflag:s21] =	ssyncset.done $0x0;
	v18 =	vshll.u32 v14, $0x3;
	v19 =	vand.u32 $0x1FF, v14;
	v14 =	vand.u32 $0x7F, v14  }
0x3a: {  	s30 =	simm.s32 $0x5;
	[sflag:s21] =	ssyncadd.s32 $0xFFFFC000;
	v20 =	vshll.u32 v13, $0x3;
	v21 =	vand.u32 $0x1FF, v16;
	v13 =	vand.u32 $0x7F, v13  }
0x3b: {  	s31 =	simm.s32 $0x6;
	v27 =	vadd.s32 s30, v1;
	v29 =	vand.u32 $0x7F, v12;
	v30 =	vshll.u32 v12, $0x3;
	_ =	swait.ge [sflag:s21], $0x4000  }
0x3c: {  	v12 =	vand.u32 $0x1FF, v12;
	v32 =	vadd.s32 s31, v1;
	v41 =	vand.u32 $0x1FF, v22;
	[sflag:s21] =	ssyncset.done $0x0  }
0x3d: {  	v18 =	vand.u32 $0xC00, v18;
	v31 =	vand.u32 $0x1FF, v27;
	v33 =	vshll.u32 v32, $0x3;
	[sflag:s21] =	ssyncadd.s32 $0xFFFFC000  }
0x3e: {  	v42 =	vand.u32 $0x7F, v32;
	v14 =	vor.u32 v14, v18;
	v18 =	vand.u32 $0xC00, v20;
	v17 =	vld.idx.msk [tilespmem:v17+s4+$0x0], $0xffff  }
0x3f: {  	v32 =	vand.u32 $0x1FF, v32;
	v18 =	vor.u32 v13, v18;
	v13 =	vshll.u32 v16, $0x3;
	v19 =	vld.idx.msk [tilespmem:v19+s4+$0x0], $0xffff  }
0x40: {  	v30 =	vand.u32 $0xC00, v30;
	v20 =	vor.u32 v2, v14;
	v26 =	vand.u32 $0xC00, v13;
	v13 =	vld.idx.msk [tilespmem:v21+s4+$0x0], $0xffff  }
0x41: {  	v29 =	vor.u32 v29, v30;
	v23 =	vor.u32 v3, v14;
	v12 =	vld.idx.msk [tilespmem:v12+s4+$0x0], $0xffff  }
0x42: {  	v35 =	vor.u32 v2, v29;
	v41 =	vld.idx.msk [tilespmem:v41+s4+$0x0], $0xffff  }
0x43: {  	v37 =	vor.u32 v4, v29;
	v31 =	vld.idx.msk [tilespmem:v31+s4+$0x0], $0xffff  }
0x44: {  	v38 =	vor.u32 v5, v29;
	v32 =	vld.idx.msk [tilespmem:v32+s4+$0x0], $0xffff  }
0x45: {  	v34 =	vor.u32 v5, v14;
	v20 =	vld.idx.msk [tilespmem:v20+s17+$0x0], $0xffff  }
0x46: {  	v29 =	vor.u32 v3, v29;
	v21 =	vshll.u32 v22, $0x3;
	v23 =	vld.idx.msk [tilespmem:v23+s17+$0x0], $0xffff  }
0x47: {  	v14 =	vor.u32 v4, v14;
	v22 =	vand.u32 $0x7F, v22;
	v21 =	vand.u32 $0xC00, v21;
	v35 =	vld.idx.msk [tilespmem:v35+s17+$0x0], $0xffff  }
0x48: {  	v25 =	vor.u32 v5, v18;
	v21 =	vor.u32 v22, v21;
	v22 =	vld.idx.msk [tilespmem:v37+s17+$0x0], $0xffff  }
0x49: {  	v15 =	vimm.f32 $0.0e+00;
	v36 =	vshll.u32 v27, $0x3;
	v28 =	vor.u32 v4, v18;
	v63 =	vld.idx.msk [tilespmem:v38+s17+$0x0], $0xffff  }
0x4a: {  	s29 =	simm.s32 $0x0;
	v27 =	vand.u32 $0x7F, v27;
	v36 =	vand.u32 $0xC00, v36;
	v62 =	vor.u32 v3, v18;
	v34 =	vld.idx.msk [tilespmem:v34+s17+$0x0], $0xffff  }
0x4b: {  	v24 =	vadd.s32 s29, v1;
	v27 =	vor.u32 v27, v36;
	v18 =	vor.u32 v2, v18;
	v29 =	vld.idx.msk [tilespmem:v29+s17+$0x0], $0xffff  }
0x4c: {  	v39 =	vand.u32 $0x1FF, v24;
	v40 =	vshll.u32 v24, $0x3;
	v58 =	vor.u32 v2, v27;
	v14 =	vld.idx.msk [tilespmem:v14+s17+$0x0], $0xffff  }
0x4d: {  	v24 =	vand.u32 $0x7F, v24;
	v40 =	vand.u32 $0xC00, v40;
	v44 =	vor.u32 v3, v27;
	v25 =	vld.idx.msk [tilespmem:v25+s17+$0x0], $0xffff  }
0x4e: {  	v33 =	vand.u32 $0xC00, v33;
	v24 =	vor.u32 v24, v40;
	v47 =	vor.u32 v4, v27;
	v28 =	vld.idx.msk [tilespmem:v28+s17+$0x0], $0xffff  }
0x4f: {  	v33 =	vor.u32 v42, v33;
	v16 =	vand.u32 $0x7F, v16;
	v57 =	vor.u32 v4, v24;
	v30 =	vld.idx.msk [tilespmem:v62+s17+$0x0], $0xffff  }
0x50: {  	v56 =	vor.u32 v3, v24;
	v42 =	vor.u32 v3, v33;
	v27 =	vor.u32 v5, v27;
	v18 =	vld.idx.msk [tilespmem:v18+s17+$0x0], $0xffff  }
0x51: {  	v43 =	vor.u32 v4, v33;
	v49 =	vor.u32 v5, v24;
	v16 =	vor.u32 v16, v26;
	v59 =	vld.idx.msk [tilespmem:v58+s17+$0x0], $0xffff  }
0x52: {  	v60 =	vor.u32 v2, v16;
	v50 =	vor.u32 v3, v16;
	v51 =	vor.u32 v4, v16;
	v44 =	vld.idx.msk [tilespmem:v44+s17+$0x0], $0xffff  }
0x53: {  	v16 =	vor.u32 v5, v16;
	v47 =	vld.idx.msk [tilespmem:v47+s17+$0x0], $0xffff;
	v20 =	vsub.f32 v20, v19;
	v35 =	vsub.f32 v35, v12  }
0x54: {  	v52 =	vor.u32 v2, v33;
	v38 =	vld.idx.msk [tilespmem:v57+s17+$0x0], $0xffff;
	v22 =	vsub.f32 v22, v12;
	v36 =	vsub.f32 v63, v12  }
0x55: {  	v46 =	vor.u32 v3, v21;
	v27 =	vld.idx.msk [tilespmem:v27+s17+$0x0], $0xffff;
	v12 =	vsub.f32 v29, v12;
	v14 =	vsub.f32 v14, v19  }
0x56: {  	v24 =	vor.u32 v2, v24;
	v61 =	vld.idx.msk [tilespmem:v43+s17+$0x0], $0xffff;
	v23 =	vsub.f32 v23, v19;
	v19 =	vsub.f32 v34, v19  }
0x57: {  	v45 =	vor.u32 v2, v21;
	v37 =	vld.idx.msk [tilespmem:v56+s17+$0x0], $0xffff;
	v25 =	vsub.f32 v25, v17;
	v30 =	vsub.f32 v30, v17  }
0x58: {  	v48 =	vor.u32 v5, v21;
	v16 =	vld.idx.msk [tilespmem:v16+s17+$0x0], $0xffff;
	v28 =	vsub.f32 v28, v17;
	v17 =	vsub.f32 v18, v17  }
0x59: {  	v21 =	vor.u32 v4, v21;
	v63 =	vld.idx.msk [tilespmem:v52+s17+$0x0], $0xffff;
	v26 =	vsub.f32 v59, v31;
	v62 =	vsub.f32 v44, v31  }
0x5a: {  	v56 =	vld.idx.msk [tilespmem:v46+s17+$0x0], $0xffff;
	v52 =	vsub.f32 v47, v31;
	v20 =	vmul.f32 v20, v20;
	v23 =	vmul.f32 v23, v23  }
0x5b: {  	v18 =	vld.idx.msk [tilespmem:v39+s4+$0x0], $0xffff;
	v54 =	vsub.f32 v27, v31;
	v19 =	vmul.f32 v19, v19;
	v17 =	vmul.f32 v17, v17  }
0x5c: {  	v29 =	vsub.f32 v61, v32;
	v25 =	vmul.f32 v25, v25;
	v30 =	vmul.f32 v30, v30  }
0x5d: {  	v28 =	vmul.f32 v28, v28;
	v16 =	vsub.f32 v16, v13;
	v17 =	vadd.f32 v17, v15  }
0x5e: {  	v14 =	vmul.f32 v14, v14;
	v30 =	vadd.f32 v30, v15;
	v25 =	vadd.f32 v25, v15  }
0x5f: {  	v24 =	vld.idx.msk [tilespmem:v24+s17+$0x0], $0xffff;
	v61 =	vmul.f32 v54, v54;
	v28 =	vadd.f32 v28, v15;
	v31 =	vsub.f32 v56, v41  }
0x60: {  	v53 =	vld.idx.msk [tilespmem:v48+s17+$0x0], $0xffff;
	v62 =	vmul.f32 v62, v62;
	v38 =	vsub.f32 v38, v18;
	v57 =	vsub.f32 v37, v18  }
0x61: {  	v48 =	vld.idx.msk [tilespmem:v45+s17+$0x0], $0xffff;
	v17 =	vadd.f32 v20, v17;
	v20 =	vmul.f32 v26, v26;
	v23 =	vadd.f32 v23, v30  }
0x62: {  	v58 =	vld.idx.msk [tilespmem:v60+s17+$0x0], $0xffff;
	v52 =	vmul.f32 v52, v52;
	v19 =	vadd.f32 v19, v25;
	v14 =	vadd.f32 v14, v28  }
0x63: {  	v60 =	vld.idx.msk [tilespmem:v50+s17+$0x0], $0xffff;
	v55 =	vmul.f32 v38, v38;
	v38 =	vsub.f32 v63, v32;
	v20 =	vadd.f32 v20, v17  }
0x64: {  	v43 =	vmul.f32 v57, v57;
	v17 =	vld.idx.msk [tilespmem:v42+s17+$0x0], $0xffff;
	v19 =	vadd.f32 v61, v19;
	v23 =	vadd.f32 v62, v23  }
0x65: {  	v63 =	vld.idx.msk [tilespmem:v51+s17+$0x0], $0xffff;
	v42 =	vmul.f32 v36, v36;
	v14 =	vadd.f32 v52, v14;
	v27 =	vadd.f32 v55, v15  }
0x66: {  	v59 =	vld.idx.msk [tilespmem:v21+s17+$0x0], $0xffff;
	v31 =	vmul.f32 v31, v31;
	v26 =	vadd.f32 v43, v15;
	v55 =	vsub.f32 v48, v41  }
0x67: {  	v50 =	vmul.f32 v12, v12;
	v51 =	vld.idx.msk [tilespmem:v49+s17+$0x0], $0xffff;
	v12 =	vadd.f32 v42, v19;
	v19 =	vsub.f32 v53, v41  }
0x68: {  	v33 =	vor.u32 v5, v33;
	v53 =	vsub.f32 v60, v13;
	v26 =	vadd.f32 v31, v26  }
0x69: {  	v21 =	vmul.f32 v35, v35;
	v46 =	vsub.f32 v17, v32;
	v17 =	vsub.f32 v58, v13  }
0x6a: {  	v22 =	vmul.f32 v22, v22;
	v35 =	vsub.f32 v63, v13;
	v13 =	vsub.f32 v24, v18  }
0x6b: {  	v56 =	vmul.f32 v53, v53;
	v54 =	vmul.f32 v17, v17;
	v17 =	vsub.f32 v59, v41  }
0x6c: {  	v18 =	vsub.f32 v51, v18;
	v61 =	vmul.f32 v35, v35;
	v57 =	vmul.f32 v13, v13  }
0x6d: {  	v13 =	vadd.f32 v22, v14;
	v14 =	vmul.f32 v55, v55;
	v58 =	vmul.f32 v17, v17  }
0x6e: {  	v33 =	vld.idx.msk [tilespmem:v33+s17+$0x0], $0xffff;
	v18 =	vmul.f32 v18, v18;
	v17 =	vadd.f32 v50, v23;
	v23 =	vadd.f32 v57, v15  }
0x6f: {  	v22 =	vadd.f32 v56, v26;
	v59 =	vmul.f32 v46, v46;
	v60 =	vadd.f32 v58, v27  }
0x70: {  	v19 =	vmul.f32 v19, v19;
	v18 =	vadd.f32 v18, v15;
	v23 =	vadd.f32 v14, v23  }
0x71: {  	v63 =	vmul.f32 v29, v29;
	v14 =	vadd.f32 v59, v22;
	v62 =	vadd.f32 v61, v60  }
0x72: {  	v16 =	vmul.f32 v16, v16;
	v19 =	vadd.f32 v19, v18;
	v15 =	vadd.f32 v54, v23  }
0x73: {  	s29 =	simm.s32 $0xF;
	v22 =	vmul.f32 v38, v38;
	v23 =	vsub.f32 v33, v32;
	v18 =	vadd.f32 v63, v62  }
.LBB2_3:
0x74: {  	s28 =	sadd.s32 $0xFFFFFFFA, s29  }
0x75: {  	s30 =	sadd.s32 $0xFFFFFFFB, s29;
	s31 =	sadd.s32 $0xFFFFFFFD, s29;
	v24 =	vadd.s32 s29, v1;
	v23 =	vmul.f32 v23, v23;
	v20 =	vadd.f32 v21, v20;
	s2 =	smov.u32 s29  }
0x76: {  	s3 =	sadd.s32 $0xFFFFFFF9, s2;
	v21 =	vadd.s32 s28, v1;
	v25 =	vadd.s32 s31, v1;
	s31 =	sadd.s32 $0xFFFFFFFF, s2;
	s28 =	sadd.s32 $0x8, s29;
	v19 =	vadd.f32 v16, v19  }
0x77: {  	p0 =	sne.s32 s29, $0x1FF;
	v27 =	vadd.s32 s30, v1;
	v16 =	vadd.f32 v22, v15;
	v26 =	vshll.u32 v21, $0x3  }
0x78: {  	v22 =	vand.u32 $0xC00, v26;
	v26 =	vshll.u32 v25, $0x3;
	v15 =	vadd.f32 v23, v19  }
0x79: {  	v23 =	vadd.s32 s3, v1;
	v19 =	vand.u32 $0x7F, v21;
	s3 =	sadd.s32 $0xFFFFFFFC, s2;
	v26 =	vand.u32 $0xC00, v26  }
0x7a: {  	v29 =	vand.u32 $0x7F, v24;
	v21 =	vand.u32 $0x1FF, v21;
	v28 =	vadd.s32 s3, v1  }
0x7b: {  	v32 =	vshll.u32 v24, $0x3;
	v31 =	vand.u32 $0x1FF, v25;
	v30 =	vand.u32 $0x1FF, v28  }
0x7c: {  	v33 =	vshll.u32 v27, $0x3;
	s2 =	sadd.s32 $0xFFFFFFFE, s2;
	v22 =	vor.u32 v19, v22;
	v19 =	vshll.u32 v28, $0x3  }
0x7d: {  	v32 =	vand.u32 $0xC00, v32;
	v28 =	vand.u32 $0x7F, v28;
	v19 =	vand.u32 $0xC00, v19  }
0x7e: {  	v35 =	vadd.s32 s31, v1;
	v34 =	vadd.s32 s2, v1;
	v28 =	vor.u32 v28, v19  }
0x7f: {  	v19 =	vshll.u32 v35, $0x3;
	v37 =	vor.u32 v2, v28;
	v38 =	vor.u32 v3, v28;
	v36 =	vld.idx.msk [tilespmem:v21+s4+$0x0], $0xffff  }
0x80: {  	v39 =	vshll.u32 v34, $0x3;
	v40 =	vand.u32 $0xC00, v19;
	v21 =	vld.idx.msk [tilespmem:v30+s4+$0x0], $0xffff;
	v30 =	vor.u32 v5, v28  }
0x81: {  	v24 =	vand.u32 $0x1FF, v24;
	v29 =	vor.u32 v29, v32;
	v41 =	vor.u32 v5, v22  }
0x82: {  	v32 =	vor.u32 v4, v22;
	v42 =	vand.u32 $0x1FF, v34;
	v39 =	vand.u32 $0xC00, v39  }
0x83: {  	v43 =	vor.u32 v3, v29;
	v19 =	vld.idx.msk [tilespmem:v31+s4+$0x0], $0xffff;
	v31 =	vand.u32 $0x7F, v34;
	v34 =	vor.u32 v2, v29  }
0x84: {  	v45 =	vor.u32 v4, v29;
	v44 =	vor.u32 v3, v22;
	v29 =	vor.u32 v5, v29;
	v37 =	vld.idx.msk [tilespmem:v37+s17+$0x0], $0xffff  }
0x85: {  	v48 =	vand.u32 $0x7F, v35;
	v46 =	vand.u32 $0x1FF, v23;
	v47 =	vshll.u32 v23, $0x3;
	v38 =	vld.idx.msk [tilespmem:v38+s17+$0x0], $0xffff  }
0x86: {  	v49 =	vand.u32 $0x7F, v27;
	v23 =	vand.u32 $0x7F, v23;
	v47 =	vand.u32 $0xC00, v47;
	v41 =	vld.idx.msk [tilespmem:v41+s17+$0x0], $0xffff  }
0x87: {  	v27 =	vand.u32 $0x1FF, v27;
	v33 =	vand.u32 $0xC00, v33;
	v23 =	vor.u32 v23, v47;
	v32 =	vld.idx.msk [tilespmem:v32+s17+$0x0], $0xffff  }
0x88: {  	v33 =	vor.u32 v49, v33;
	v22 =	vor.u32 v2, v22;
	v40 =	vor.u32 v48, v40;
	v42 =	vld.idx.msk [tilespmem:v42+s4+$0x0], $0xffff  }
0x89: {  	v47 =	vor.u32 v3, v23;
	v48 =	vor.u32 v4, v23;
	v49 =	vor.u32 v3, v40;
	v24 =	vld.idx.msk [tilespmem:v24+s4+$0x0], $0xffff  }
0x8a: {  	v28 =	vor.u32 v4, v28;
	v31 =	vor.u32 v31, v39;
	v39 =	vor.u32 v4, v40;
	v44 =	vld.idx.msk [tilespmem:v44+s17+$0x0], $0xffff  }
0x8b: {  	v50 =	vor.u32 v2, v33;
	v51 =	vor.u32 v3, v33;
	v52 =	vor.u32 v2, v31;
	v34 =	vld.idx.msk [tilespmem:v34+s17+$0x0], $0xffff  }
0x8c: {  	v53 =	vor.u32 v5, v33;
	v54 =	vor.u32 v4, v31;
	v41 =	vsub.f32 v41, v36;
	v45 =	vld.idx.msk [tilespmem:v45+s17+$0x0], $0xffff  }
0x8d: {  	v25 =	vand.u32 $0x7F, v25;
	v33 =	vor.u32 v4, v33;
	v37 =	vsub.f32 v37, v21;
	v29 =	vld.idx.msk [tilespmem:v29+s17+$0x0], $0xffff  }
0x8e: {  	v25 =	vor.u32 v25, v26;
	v55 =	vor.u32 v5, v23;
	v41 =	vmul.f32 v41, v41;
	v30 =	vld.idx.msk [tilespmem:v30+s17+$0x0], $0xffff  }
0x8f: {  	v56 =	vor.u32 v3, v25;
	v57 =	vor.u32 v3, v31;
	v26 =	vld.idx.msk [tilespmem:v27+s4+$0x0], $0xffff;
	v27 =	vor.u32 v2, v25  }
0x90: {  	v23 =	vor.u32 v2, v23;
	v32 =	vsub.f32 v32, v36;
	v44 =	vsub.f32 v44, v36;
	v22 =	vld.idx.msk [tilespmem:v22+s17+$0x0], $0xffff  }
0x91: {  	v58 =	vor.u32 v4, v25;
	v35 =	vand.u32 $0x1FF, v35;
	v34 =	vsub.f32 v34, v24;
	v43 =	vld.idx.msk [tilespmem:v43+s17+$0x0], $0xffff  }
0x92: {  	v59 =	vor.u32 v5, v40;
	v32 =	vmul.f32 v32, v32;
	v45 =	vsub.f32 v45, v24;
	v28 =	vld.idx.msk [tilespmem:v28+s17+$0x0], $0xffff  }
0x93: {  	v31 =	vor.u32 v5, v31;
	v37 =	vmul.f32 v37, v37;
	v52 =	vld.idx.msk [tilespmem:v52+s17+$0x0], $0xffff  }
0x94: {  	v29 =	vsub.f32 v29, v24;
	v57 =	vld.idx.msk [tilespmem:v57+s17+$0x0], $0xffff  }
0x95: {  	v54 =	vld.idx.msk [tilespmem:v54+s17+$0x0], $0xffff  }
0x96: {  	v22 =	vsub.f32 v22, v36;
	v36 =	vor.u32 v2, v40;
	v48 =	vld.idx.msk [tilespmem:v48+s17+$0x0], $0xffff  }
0x97: {  	v25 =	vor.u32 v5, v25;
	v24 =	vsub.f32 v43, v24;
	v40 =	vld.idx.msk [tilespmem:v46+s4+$0x0], $0xffff  }
0x98: {  	v28 =	vsub.f32 v28, v21;
	v31 =	vld.idx.msk [tilespmem:v31+s17+$0x0], $0xffff  }
0x99: {  	v22 =	vmul.f32 v22, v22;
	v43 =	vsub.f32 v52, v42;
	v39 =	vld.idx.msk [tilespmem:v39+s17+$0x0], $0xffff  }
0x9a: {  	v44 =	vmul.f32 v44, v44;
	v46 =	vld.idx.msk [tilespmem:v47+s17+$0x0], $0xffff;
	v47 =	vsub.f32 v57, v42  }
0x9b: {  	v20 =	vadd.f32 v22, v20;
	v22 =	vsub.f32 v38, v21;
	v28 =	vmul.f32 v28, v28;
	v36 =	vld.idx.msk [tilespmem:v36+s17+$0x0], $0xffff  }
0x9c: {  	v17 =	vadd.f32 v44, v17;
	v38 =	vsub.f32 v54, v42;
	v35 =	vld.idx.msk [tilespmem:v35+s4+$0x0], $0xffff  }
0x9d: {  	v22 =	vmul.f32 v22, v22;
	v44 =	vsub.f32 v48, v40;
	v48 =	vld.idx.msk [tilespmem:v53+s17+$0x0], $0xffff  }
0x9e: {  	v20 =	vadd.f32 v37, v20;
	v37 =	vmul.f32 v43, v43;
	v31 =	vsub.f32 v31, v42;
	v33 =	vld.idx.msk [tilespmem:v33+s17+$0x0], $0xffff  }
0x9f: {  	v17 =	vadd.f32 v22, v17;
	v22 =	vsub.f32 v30, v21;
	v42 =	vmul.f32 v44, v44;
	v43 =	vld.idx.msk [tilespmem:v51+s17+$0x0], $0xffff  }
0xa0: {  	v12 =	vadd.f32 v41, v12;
	v20 =	vadd.f32 v37, v20;
	v21 =	vmul.f32 v34, v34;
	v30 =	vld.idx.msk [tilespmem:v49+s17+$0x0], $0xffff  }
0xa1: {  	v34 =	vsub.f32 v46, v40;
	v22 =	vmul.f32 v22, v22;
	v18 =	vadd.f32 v42, v18;
	v27 =	vld.idx.msk [tilespmem:v27+s17+$0x0], $0xffff  }
0xa2: {  	v36 =	vsub.f32 v36, v35;
	v39 =	vsub.f32 v39, v35;
	v37 =	vld.idx.msk [tilespmem:v56+s17+$0x0], $0xffff  }
0xa3: {  	v31 =	vmul.f32 v31, v31;
	v34 =	vmul.f32 v34, v34;
	v12 =	vadd.f32 v22, v12;
	v41 =	vld.idx.msk [tilespmem:v58+s17+$0x0], $0xffff  }
0xa4: {  	v13 =	vadd.f32 v32, v13;
	v32 =	vmul.f32 v47, v47;
	v22 =	vmul.f32 v36, v36;
	v23 =	vld.idx.msk [tilespmem:v23+s17+$0x0], $0xffff  }
0xa5: {  	v29 =	vmul.f32 v29, v29;
	v12 =	vadd.f32 v31, v12;
	v36 =	vsub.f32 v43, v26;
	v25 =	vld.idx.msk [tilespmem:v25+s17+$0x0], $0xffff  }
0xa6: {  	v24 =	vmul.f32 v24, v24;
	v17 =	vadd.f32 v32, v17;
	v30 =	vsub.f32 v30, v35;
	v31 =	vld.idx.msk [tilespmem:v50+s17+$0x0], $0xffff  }
0xa7: {  	v12 =	vadd.f32 v29, v12;
	v36 =	vmul.f32 v36, v36;
	v27 =	vsub.f32 v27, v19;
	v32 =	vld.idx.msk [tilespmem:v55+s17+$0x0], $0xffff  }
0xa8: {  	v13 =	vadd.f32 v28, v13;
	v28 =	vmul.f32 v38, v38;
	v29 =	vsub.f32 v48, v26  }
0xa9: {  	v14 =	vadd.f32 v34, v14;
	v34 =	vsub.f32 v37, v19;
	v27 =	vmul.f32 v27, v27  }
0xaa: {  	v13 =	vadd.f32 v28, v13;
	v28 =	vmul.f32 v45, v45;
	v37 =	vsub.f32 v41, v19  }
0xab: {  	v33 =	vsub.f32 v33, v26;
	v19 =	vsub.f32 v25, v19  }
0xac: {  	v23 =	vsub.f32 v23, v40;
	v25 =	vsub.f32 v31, v26  }
0xad: {  	v14 =	vadd.f32 v36, v14;
	v31 =	vmul.f32 v34, v34;
	v26 =	vsub.f32 v32, v40  }
0xae: {  	v13 =	vadd.f32 v28, v13;
	v23 =	vmul.f32 v23, v23;
	v32 =	vmul.f32 v33, v33;
	v33 =	vld.idx.msk [tilespmem:v59+s17+$0x0], $0xffff  }
0xaf: {  	v17 =	vadd.f32 v24, v17;
	v25 =	vmul.f32 v25, v25;
	v14 =	vadd.f32 v31, v14  }
0xb0: {  	v24 =	vmul.f32 v30, v30;
	v16 =	vadd.f32 v23, v16;
	v23 =	vmul.f32 v26, v26  }
.Ltmp2:
0xb1: {  	v28 =	vmul.f32 v37, v37;
	v18 =	vadd.f32 v32, v18;
	v26 =	vmul.f32 v29, v29;
	(pc) =	sbr.rel @p0 .LBB2_3-.Ltmp2, $4  }
0xb2: {  	v25 =	vadd.f32 v25, v16;
	v16 =	vmul.f32 v19, v19;
	v14 =	vadd.f32 v24, v14  }
0xb3: {  	v24 =	vmul.f32 v39, v39;
	v19 =	vadd.f32 v23, v15;
	v18 =	vadd.f32 v28, v18  }
0xb4: {  	v15 =	vadd.f32 v27, v25;
	v23 =	vsub.f32 v33, v35  }
0xb5: {  	s29 =	smov.u32 s28;
	v19 =	vadd.f32 v26, v19;
	v18 =	vadd.f32 v24, v18  }
0xb6: {  	v20 =	vadd.f32 v21, v20;
	v15 =	vadd.f32 v22, v15;
	_ =	sdelay $0x1  }
0xb7: {  	v21 =	vmul.f32 v23, v23;
	s28 =	sshll.u32 s26, $0x7;
	v16 =	vadd.f32 v16, v19;
	v15 =	vadd.f32 v20, v15  }
0xb8: {  	v14 =	vadd.f32 v17, v14;
	s2 =	sadd.s32 s5, s28  }
0xb9: {  	v19 =	vor.u32 s2, v0;
	v16 =	vadd.f32 v21, v16;
	vm0 =	vlt.f32 v15, v11  }
0xba: {  	vm1 =	vlt.f32 v15, v8;
	vm2 =	vlt.f32 v15, v10;
	v20 =	vsel vm0, v15, v11  }
0xbb: {  	s3 =	sor.u32 $0x10, s2;
	s0 =	sor.u32 $0x20, s2;
	s2 =	sor.u32 $0x30, s2;
	v21 =	vsel vm1, v15, v8;
	v22 =	vsel vm0, v19, v6;
	v10 =	vsel vm2, v15, v10  }
0xbc: {  	v9 =	vsel vm2, v19, v9;
	v12 =	vadd.f32 v12, v16;
	v16 =	vor.u32 s2, v0  }
0xbd: {  	v11 =	vsel vm0, v11, v21;
	v21 =	vsel vm1, v19, v7;
	v8 =	vsel vm1, v8, v10  }
0xbe: {  	v7 =	vsel vm1, v7, v9;
	v9 =	vor.u32 s3, v0;
	vm7 =	vlt.f32 v14, v20  }
0xbf: {  	p0 =	seq.s32 s26, $0x5;
	v6 =	vsel vm0, v6, v21;
	vm8 =	vlt.f32 v14, v11;
	vm9 =	vlt.f32 v14, v8  }
0xc0: {  	s3 =	sadd.s32 @!p0 s28, s11;
	v10 =	vsel vm7, v14, v20;
	v17 =	vsel vm7, v9, v22;
	v15 =	vsel vm8, v14, v11  }
0xc1: {  	s3 =	sshll.u32 @!p0 s3, $0x6;
	v19 =	vsel vm8, v9, v6;
	v8 =	vsel vm9, v14, v8;
	v7 =	vsel vm9, v9, v7  }
0xc2: {  	s29 =	simm.s32 @!p0 $0x0;
	s30 =	simm.s32 @!p0 $0x200;
	v9 =	vadd.f32 v13, v18;
	s2 =	sadd.s32 @!p0 s1, s3;
	v15 =	vsel vm7, v20, v15;
	v13 =	vsel vm7, v22, v19  }
0xc3: {  	v8 =	vsel vm8, v11, v8;
	v6 =	vsel vm8, v6, v7;
	v7 =	vor.u32 s0, v0;
	[tilespmem:s30], [sflag:$0x1] =	stream.linear.gather @!p0 [hbm4b:s2+s29], $0x4000, $0x38;
	[tilespmem:$0x10600] =	vst v63  }
0xc4: {  	s2 =	sand.u32 @!p0 $0x1FFFE000, s3;
	vm10 =	vlt.f32 v9, v10;
	vm11 =	vlt.f32 v9, v15;
	vm12 =	vlt.f32 v9, v8  }
0xc5: {  	s3 =	simm.s32 @!p0 $0x4200;
	s2 =	sadd.s32 @!p0 s2, s7;
	v11 =	vsel vm10, v9, v10;
	v14 =	vsel vm11, v9, v15;
	v18 =	vsel vm10, v7, v17  }
0xc6: {  	v8 =	vsel vm12, v9, v8;
	v6 =	vsel vm12, v7, v6;
	[tilespmem:s3], [sflag:$0x1] =	stream.linear.gather @!p0 [hbm4b:s2+s29], $0x4000, $0x38;
	v10 =	vsel vm10, v10, v14;
	[tilespmem:$0x10600] =	vst v63  }
0xc7: {  	s29 =	simm.s32 $0x5;
	v14 =	vsel vm11, v7, v13;
	v15 =	vsel vm11, v15, v8;
	v13 =	vsel vm11, v13, v6  }
0xc8: {  	vm13 =	vlt.f32 v12, v11;
	v27 =	vadd.s32 s29, v1;
	v14 =	vsel vm10, v17, v14  }
0xc9: {  	vm14 =	vlt.f32 v12, v10;
	vm15 =	vlt.f32 v12, v15;
	v8 =	vsel vm13, v12, v11  }
0xca: {  	v6 =	vsel vm13, v16, v18;
	v31 =	vand.u32 $0x1FF, v27;
	v36 =	vshll.u32 v27, $0x3  }
0xcb: {  	v27 =	vand.u32 $0x7F, v27;
	v7 =	vsel vm14, v12, v10;
	v9 =	vsel vm14, v16, v14  }
0xcc: {  	s31 =	simm.s32 $0x1;
	v36 =	vand.u32 $0xC00, v36;
	v7 =	vsel vm13, v11, v7;
	v9 =	vsel vm13, v18, v9  }
0xcd: {  	s30 =	simm.s32 $0x4;
	_ =	swait.ge [sflag:s22], $0x4000;
	v11 =	vsel vm15, v12, v15;
	v12 =	vsel vm15, v16, v13;
	v13 =	vadd.s32 s31, v1  }
0xce: {  	s0 =	simm.s32 $0x3;
	[sflag:s22] =	ssyncset.done $0x0;
	v16 =	vadd.s32 s30, v1;
	v27 =	vor.u32 v27, v36;
	v11 =	vsel vm14, v10, v11  }
0xcf: {  	[sflag:s22] =	ssyncadd.s32 $0xFFFFC000;
	v10 =	vsel vm14, v14, v12;
	v14 =	vadd.s32 s0, v1;
	v17 =	vand.u32 $0x1FF, v13  }
0xd0: {  	_ =	swait.ge [sflag:s22], $0x4000;
	v20 =	vshll.u32 v13, $0x3;
	v21 =	vand.u32 $0x1FF, v16;
	v13 =	vand.u32 $0x7F, v13  }
0xd1: {  	[sflag:s22] =	ssyncset.done $0x0;
	v58 =	vor.u32 v2, v27;
	v44 =	vor.u32 v3, v27;
	v18 =	vshll.u32 v14, $0x3  }
0xd2: {  	v19 =	vand.u32 $0x1FF, v14;
	v14 =	vand.u32 $0x7F, v14;
	[sflag:s22] =	ssyncadd.s32 $0xFFFFC000;
	v18 =	vand.u32 $0xC00, v18  }
0xd3: {  	v47 =	vor.u32 v4, v27;
	v31 =	vld.idx.msk [tilespmem:v31+s4+$0x0], $0xffff;
	v14 =	vor.u32 v14, v18;
	v18 =	vand.u32 $0xC00, v20  }
0xd4: {  	s3 =	simm.s32 $0x7;
	s31 =	simm.s32 $0x2;
	v27 =	vor.u32 v5, v27;
	v18 =	vor.u32 v13, v18;
	v13 =	vshll.u32 v16, $0x3;
	v17 =	vld.idx.msk [tilespmem:v17+s4+$0x0], $0xffff  }
0xd5: {  	v12 =	vadd.s32 s3, v1;
	v22 =	vadd.s32 s31, v1;
	v26 =	vand.u32 $0xC00, v13;
	v13 =	vld.idx.msk [tilespmem:v21+s4+$0x0], $0xffff  }
0xd6: {  	s31 =	simm.s32 $0x6;
	v29 =	vand.u32 $0x7F, v12;
	v30 =	vshll.u32 v12, $0x3;
	v12 =	vand.u32 $0x1FF, v12;
	v59 =	vld.idx.msk [tilespmem:v58+s19+$0x0], $0xffff  }
0xd7: {  	v32 =	vadd.s32 s31, v1;
	v41 =	vand.u32 $0x1FF, v22;
	v44 =	vld.idx.msk [tilespmem:v44+s19+$0x0], $0xffff  }
0xd8: {  	v33 =	vshll.u32 v32, $0x3;
	v42 =	vand.u32 $0x7F, v32;
	v32 =	vand.u32 $0x1FF, v32;
	v47 =	vld.idx.msk [tilespmem:v47+s19+$0x0], $0xffff  }
0xd9: {  	v30 =	vand.u32 $0xC00, v30;
	v20 =	vor.u32 v2, v14;
	v27 =	vld.idx.msk [tilespmem:v27+s19+$0x0], $0xffff  }
0xda: {  	v29 =	vor.u32 v29, v30;
	v23 =	vor.u32 v3, v14;
	v19 =	vld.idx.msk [tilespmem:v19+s4+$0x0], $0xffff  }
0xdb: {  	v35 =	vor.u32 v2, v29;
	v12 =	vld.idx.msk [tilespmem:v12+s4+$0x0], $0xffff  }
0xdc: {  	v37 =	vor.u32 v4, v29;
	v41 =	vld.idx.msk [tilespmem:v41+s4+$0x0], $0xffff  }
0xdd: {  	s0 =	simm.s32 $0x0;
	v38 =	vor.u32 v5, v29;
	v32 =	vld.idx.msk [tilespmem:v32+s4+$0x0], $0xffff  }
0xde: {  	v15 =	vimm.f32 $0.0e+00;
	v24 =	vadd.s32 s0, v1;
	v34 =	vor.u32 v5, v14;
	v20 =	vld.idx.msk [tilespmem:v20+s19+$0x0], $0xffff  }
0xdf: {  	v39 =	vand.u32 $0x1FF, v24;
	v29 =	vor.u32 v3, v29;
	v21 =	vshll.u32 v22, $0x3;
	v23 =	vld.idx.msk [tilespmem:v23+s19+$0x0], $0xffff  }
0xe0: {  	v14 =	vor.u32 v4, v14;
	v22 =	vand.u32 $0x7F, v22;
	v21 =	vand.u32 $0xC00, v21;
	v35 =	vld.idx.msk [tilespmem:v35+s19+$0x0], $0xffff  }
0xe1: {  	v40 =	vshll.u32 v24, $0x3;
	v25 =	vor.u32 v5, v18;
	v21 =	vor.u32 v22, v21;
	v22 =	vld.idx.msk [tilespmem:v37+s19+$0x0], $0xffff  }
0xe2: {  	v24 =	vand.u32 $0x7F, v24;
	v40 =	vand.u32 $0xC00, v40;
	v28 =	vor.u32 v4, v18;
	v63 =	vld.idx.msk [tilespmem:v38+s19+$0x0], $0xffff  }
0xe3: {  	v33 =	vand.u32 $0xC00, v33;
	v24 =	vor.u32 v24, v40;
	v62 =	vor.u32 v3, v18;
	v34 =	vld.idx.msk [tilespmem:v34+s19+$0x0], $0xffff  }
0xe4: {  	v33 =	vor.u32 v42, v33;
	v16 =	vand.u32 $0x7F, v16;
	v18 =	vor.u32 v2, v18;
	v29 =	vld.idx.msk [tilespmem:v29+s19+$0x0], $0xffff  }
0xe5: {  	v56 =	vor.u32 v3, v24;
	v43 =	vor.u32 v4, v33;
	v16 =	vor.u32 v16, v26;
	v14 =	vld.idx.msk [tilespmem:v14+s19+$0x0], $0xffff  }
0xe6: {  	v57 =	vor.u32 v4, v24;
	v42 =	vor.u32 v3, v33;
	v60 =	vor.u32 v2, v16;
	v25 =	vld.idx.msk [tilespmem:v25+s19+$0x0], $0xffff  }
0xe7: {  	v50 =	vor.u32 v3, v16;
	v51 =	vor.u32 v4, v16;
	v16 =	vor.u32 v5, v16;
	v28 =	vld.idx.msk [tilespmem:v28+s19+$0x0], $0xffff  }
0xe8: {  	v49 =	vor.u32 v5, v24;
	v46 =	vor.u32 v3, v21;
	v30 =	vld.idx.msk [tilespmem:v62+s19+$0x0], $0xffff;
	v26 =	vsub.f32 v59, v31  }
0xe9: {  	v24 =	vor.u32 v2, v24;
	v18 =	vld.idx.msk [tilespmem:v18+s19+$0x0], $0xffff;
	v62 =	vsub.f32 v44, v31;
	v54 =	vsub.f32 v27, v31  }
0xea: {  	v52 =	vor.u32 v2, v33;
	v61 =	vld.idx.msk [tilespmem:v43+s19+$0x0], $0xffff;
	v20 =	vsub.f32 v20, v19;
	v35 =	vsub.f32 v35, v12  }
0xeb: {  	v45 =	vor.u32 v2, v21;
	v37 =	vld.idx.msk [tilespmem:v56+s19+$0x0], $0xffff;
	v22 =	vsub.f32 v22, v12;
	v36 =	vsub.f32 v63, v12  }
0xec: {  	v48 =	vor.u32 v5, v21;
	v16 =	vld.idx.msk [tilespmem:v16+s19+$0x0], $0xffff;
	v12 =	vsub.f32 v29, v12;
	v14 =	vsub.f32 v14, v19  }
0xed: {  	v21 =	vor.u32 v4, v21;
	v56 =	vld.idx.msk [tilespmem:v46+s19+$0x0], $0xffff;
	v23 =	vsub.f32 v23, v19;
	v25 =	vsub.f32 v25, v17  }
0xee: {  	v38 =	vld.idx.msk [tilespmem:v57+s19+$0x0], $0xffff;
	v62 =	vmul.f32 v62, v62;
	v30 =	vsub.f32 v30, v17;
	v28 =	vsub.f32 v28, v17  }
0xef: {  	v63 =	vld.idx.msk [tilespmem:v52+s19+$0x0], $0xffff;
	v17 =	vsub.f32 v18, v17;
	v29 =	vsub.f32 v61, v32;
	v61 =	vmul.f32 v54, v54  }
0xf0: {  	v52 =	vsub.f32 v47, v31;
	v18 =	vld.idx.msk [tilespmem:v39+s4+$0x0], $0xffff;
	v20 =	vmul.f32 v20, v20;
	v25 =	vmul.f32 v25, v25  }
0xf1: {  	v19 =	vsub.f32 v34, v19;
	v17 =	vmul.f32 v17, v17;
	v30 =	vmul.f32 v30, v30  }
0xf2: {  	v28 =	vmul.f32 v28, v28;
	v16 =	vsub.f32 v16, v13;
	v31 =	vsub.f32 v56, v41  }
0xf3: {  	v23 =	vmul.f32 v23, v23;
	v17 =	vadd.f32 v17, v15;
	v30 =	vadd.f32 v30, v15  }
0xf4: {  	v24 =	vld.idx.msk [tilespmem:v24+s19+$0x0], $0xffff;
	v19 =	vmul.f32 v19, v19;
	v25 =	vadd.f32 v25, v15;
	v28 =	vadd.f32 v28, v15  }
0xf5: {  	v53 =	vld.idx.msk [tilespmem:v48+s19+$0x0], $0xffff;
	v14 =	vmul.f32 v14, v14;
	v38 =	vsub.f32 v38, v18;
	v57 =	vsub.f32 v37, v18  }
0xf6: {  	v48 =	vld.idx.msk [tilespmem:v45+s19+$0x0], $0xffff;
	v17 =	vadd.f32 v20, v17;
	v20 =	vmul.f32 v26, v26;
	v23 =	vadd.f32 v23, v30  }
0xf7: {  	v58 =	vld.idx.msk [tilespmem:v60+s19+$0x0], $0xffff;
	v52 =	vmul.f32 v52, v52;
	v19 =	vadd.f32 v19, v25;
	v14 =	vadd.f32 v14, v28  }
0xf8: {  	v60 =	vld.idx.msk [tilespmem:v50+s19+$0x0], $0xffff;
	v55 =	vmul.f32 v38, v38;
	v38 =	vsub.f32 v63, v32;
	v20 =	vadd.f32 v20, v17  }
0xf9: {  	v43 =	vmul.f32 v57, v57;
	v17 =	vld.idx.msk [tilespmem:v42+s19+$0x0], $0xffff;
	v19 =	vadd.f32 v61, v19;
	v23 =	vadd.f32 v62, v23  }
0xfa: {  	v63 =	vld.idx.msk [tilespmem:v51+s19+$0x0], $0xffff;
	v42 =	vmul.f32 v36, v36;
	v14 =	vadd.f32 v52, v14;
	v27 =	vadd.f32 v55, v15  }
0xfb: {  	v59 =	vld.idx.msk [tilespmem:v21+s19+$0x0], $0xffff;
	v31 =	vmul.f32 v31, v31;
	v26 =	vadd.f32 v43, v15;
	v55 =	vsub.f32 v48, v41  }
0xfc: {  	v50 =	vmul.f32 v12, v12;
	v51 =	vld.idx.msk [tilespmem:v49+s19+$0x0], $0xffff;
	v12 =	vadd.f32 v42, v19;
	v19 =	vsub.f32 v53, v41  }
0xfd: {  	v33 =	vor.u32 v5, v33;
	v53 =	vsub.f32 v60, v13;
	v26 =	vadd.f32 v31, v26  }
0xfe: {  	v21 =	vmul.f32 v35, v35;
	v46 =	vsub.f32 v17, v32;
	v17 =	vsub.f32 v58, v13  }
0xff: {  	v22 =	vmul.f32 v22, v22;
	v35 =	vsub.f32 v63, v13;
	v13 =	vsub.f32 v24, v18  }
0x100: {  	v56 =	vmul.f32 v53, v53;
	v54 =	vmul.f32 v17, v17;
	v17 =	vsub.f32 v59, v41  }
0x101: {  	v18 =	vsub.f32 v51, v18;
	v61 =	vmul.f32 v35, v35;
	v57 =	vmul.f32 v13, v13  }
0x102: {  	v13 =	vadd.f32 v22, v14;
	v14 =	vmul.f32 v55, v55;
	v58 =	vmul.f32 v17, v17  }
0x103: {  	v33 =	vld.idx.msk [tilespmem:v33+s19+$0x0], $0xffff;
	v18 =	vmul.f32 v18, v18;
	v17 =	vadd.f32 v50, v23;
	v23 =	vadd.f32 v57, v15  }
0x104: {  	v22 =	vadd.f32 v56, v26;
	v59 =	vmul.f32 v46, v46;
	v60 =	vadd.f32 v58, v27  }
0x105: {  	v19 =	vmul.f32 v19, v19;
	v18 =	vadd.f32 v18, v15;
	v23 =	vadd.f32 v14, v23  }
0x106: {  	v63 =	vmul.f32 v29, v29;
	v14 =	vadd.f32 v59, v22;
	v62 =	vadd.f32 v61, v60  }
0x107: {  	v16 =	vmul.f32 v16, v16;
	v19 =	vadd.f32 v19, v18;
	v15 =	vadd.f32 v54, v23  }
0x108: {  	s30 =	simm.s32 $0xF;
	v22 =	vmul.f32 v38, v38;
	v23 =	vsub.f32 v33, v32;
	v18 =	vadd.f32 v63, v62  }
.LBB2_5:
0x109: {  	s2 =	sadd.s32 $0xFFFFFFFA, s30  }
0x10a: {  	s3 =	sadd.s32 $0xFFFFFFFB, s30;
	s29 =	sadd.s32 $0xFFFFFFFD, s30;
	v24 =	vadd.s32 s30, v1;
	v23 =	vmul.f32 v23, v23;
	v20 =	vadd.f32 v21, v20;
	s31 =	smov.u32 s30  }
0x10b: {  	s0 =	sadd.s32 $0xFFFFFFF9, s31;
	v21 =	vadd.s32 s2, v1;
	v25 =	vadd.s32 s29, v1;
	s2 =	sadd.s32 $0xFFFFFFFF, s31;
	s29 =	sadd.s32 $0x8, s30;
	v19 =	vadd.f32 v16, v19  }
0x10c: {  	p1 =	sne.s32 s30, $0x1FF;
	v27 =	vadd.s32 s3, v1;
	v16 =	vadd.f32 v22, v15;
	v26 =	vshll.u32 v21, $0x3  }
0x10d: {  	v22 =	vand.u32 $0xC00, v26;
	v26 =	vshll.u32 v25, $0x3;
	v15 =	vadd.f32 v23, v19  }
0x10e: {  	v23 =	vadd.s32 s0, v1;
	v19 =	vand.u32 $0x7F, v21;
	s0 =	sadd.s32 $0xFFFFFFFC, s31;
	v26 =	vand.u32 $0xC00, v26  }
0x10f: {  	v29 =	vand.u32 $0x7F, v24;
	v21 =	vand.u32 $0x1FF, v21;
	v28 =	vadd.s32 s0, v1  }
0x110: {  	v32 =	vshll.u32 v24, $0x3;
	v31 =	vand.u32 $0x1FF, v25;
	v30 =	vand.u32 $0x1FF, v28  }
0x111: {  	v33 =	vshll.u32 v27, $0x3;
	v22 =	vor.u32 v19, v22;
	s0 =	sadd.s32 $0xFFFFFFFE, s31;
	v19 =	vshll.u32 v28, $0x3  }
0x112: {  	v32 =	vand.u32 $0xC00, v32;
	v28 =	vand.u32 $0x7F, v28;
	v19 =	vand.u32 $0xC00, v19  }
0x113: {  	v35 =	vadd.s32 s2, v1;
	v34 =	vadd.s32 s0, v1;
	v28 =	vor.u32 v28, v19  }
0x114: {  	v19 =	vshll.u32 v35, $0x3;
	v37 =	vor.u32 v2, v28;
	v38 =	vor.u32 v3, v28;
	v36 =	vld.idx.msk [tilespmem:v21+s4+$0x0], $0xffff  }
0x115: {  	v39 =	vshll.u32 v34, $0x3;
	v40 =	vand.u32 $0xC00, v19;
	v21 =	vld.idx.msk [tilespmem:v30+s4+$0x0], $0xffff;
	v30 =	vor.u32 v5, v28  }
0x116: {  	v24 =	vand.u32 $0x1FF, v24;
	v29 =	vor.u32 v29, v32;
	v41 =	vor.u32 v5, v22  }
0x117: {  	v32 =	vor.u32 v4, v22;
	v42 =	vand.u32 $0x1FF, v34;
	v39 =	vand.u32 $0xC00, v39  }
0x118: {  	v43 =	vor.u32 v3, v29;
	v19 =	vld.idx.msk [tilespmem:v31+s4+$0x0], $0xffff;
	v31 =	vand.u32 $0x7F, v34;
	v34 =	vor.u32 v2, v29  }
0x119: {  	v45 =	vor.u32 v4, v29;
	v44 =	vor.u32 v3, v22;
	v29 =	vor.u32 v5, v29;
	v37 =	vld.idx.msk [tilespmem:v37+s19+$0x0], $0xffff  }
0x11a: {  	v48 =	vand.u32 $0x7F, v35;
	v46 =	vand.u32 $0x1FF, v23;
	v47 =	vshll.u32 v23, $0x3;
	v38 =	vld.idx.msk [tilespmem:v38+s19+$0x0], $0xffff  }
0x11b: {  	v49 =	vand.u32 $0x7F, v27;
	v23 =	vand.u32 $0x7F, v23;
	v47 =	vand.u32 $0xC00, v47;
	v41 =	vld.idx.msk [tilespmem:v41+s19+$0x0], $0xffff  }
0x11c: {  	v27 =	vand.u32 $0x1FF, v27;
	v33 =	vand.u32 $0xC00, v33;
	v23 =	vor.u32 v23, v47;
	v32 =	vld.idx.msk [tilespmem:v32+s19+$0x0], $0xffff  }
0x11d: {  	v33 =	vor.u32 v49, v33;
	v22 =	vor.u32 v2, v22;
	v40 =	vor.u32 v48, v40;
	v42 =	vld.idx.msk [tilespmem:v42+s4+$0x0], $0xffff  }
0x11e: {  	v47 =	vor.u32 v3, v23;
	v48 =	vor.u32 v4, v23;
	v49 =	vor.u32 v3, v40;
	v24 =	vld.idx.msk [tilespmem:v24+s4+$0x0], $0xffff  }
0x11f: {  	v28 =	vor.u32 v4, v28;
	v31 =	vor.u32 v31, v39;
	v39 =	vor.u32 v4, v40;
	v44 =	vld.idx.msk [tilespmem:v44+s19+$0x0], $0xffff  }
0x120: {  	v50 =	vor.u32 v2, v33;
	v51 =	vor.u32 v3, v33;
	v52 =	vor.u32 v2, v31;
	v34 =	vld.idx.msk [tilespmem:v34+s19+$0x0], $0xffff  }
0x121: {  	v53 =	vor.u32 v5, v33;
	v54 =	vor.u32 v4, v31;
	v41 =	vsub.f32 v41, v36;
	v45 =	vld.idx.msk [tilespmem:v45+s19+$0x0], $0xffff  }
0x122: {  	v25 =	vand.u32 $0x7F, v25;
	v33 =	vor.u32 v4, v33;
	v37 =	vsub.f32 v37, v21;
	v29 =	vld.idx.msk [tilespmem:v29+s19+$0x0], $0xffff  }
0x123: {  	v25 =	vor.u32 v25, v26;
	v55 =	vor.u32 v5, v23;
	v41 =	vmul.f32 v41, v41;
	v30 =	vld.idx.msk [tilespmem:v30+s19+$0x0], $0xffff  }
0x124: {  	v56 =	vor.u32 v3, v25;
	v57 =	vor.u32 v3, v31;
	v26 =	vld.idx.msk [tilespmem:v27+s4+$0x0], $0xffff;
	v27 =	vor.u32 v2, v25  }
0x125: {  	v23 =	vor.u32 v2, v23;
	v32 =	vsub.f32 v32, v36;
	v44 =	vsub.f32 v44, v36;
	v22 =	vld.idx.msk [tilespmem:v22+s19+$0x0], $0xffff  }
0x126: {  	v58 =	vor.u32 v4, v25;
	v35 =	vand.u32 $0x1FF, v35;
	v34 =	vsub.f32 v34, v24;
	v43 =	vld.idx.msk [tilespmem:v43+s19+$0x0], $0xffff  }
0x127: {  	v59 =	vor.u32 v5, v40;
	v32 =	vmul.f32 v32, v32;
	v45 =	vsub.f32 v45, v24;
	v28 =	vld.idx.msk [tilespmem:v28+s19+$0x0], $0xffff  }
0x128: {  	v31 =	vor.u32 v5, v31;
	v37 =	vmul.f32 v37, v37;
	v52 =	vld.idx.msk [tilespmem:v52+s19+$0x0], $0xffff  }
0x129: {  	v29 =	vsub.f32 v29, v24;
	v57 =	vld.idx.msk [tilespmem:v57+s19+$0x0], $0xffff  }
0x12a: {  	v54 =	vld.idx.msk [tilespmem:v54+s19+$0x0], $0xffff  }
0x12b: {  	v22 =	vsub.f32 v22, v36;
	v36 =	vor.u32 v2, v40;
	v48 =	vld.idx.msk [tilespmem:v48+s19+$0x0], $0xffff  }
0x12c: {  	v25 =	vor.u32 v5, v25;
	v24 =	vsub.f32 v43, v24;
	v40 =	vld.idx.msk [tilespmem:v46+s4+$0x0], $0xffff  }
0x12d: {  	v28 =	vsub.f32 v28, v21;
	v31 =	vld.idx.msk [tilespmem:v31+s19+$0x0], $0xffff  }
0x12e: {  	v22 =	vmul.f32 v22, v22;
	v43 =	vsub.f32 v52, v42;
	v39 =	vld.idx.msk [tilespmem:v39+s19+$0x0], $0xffff  }
0x12f: {  	v44 =	vmul.f32 v44, v44;
	v46 =	vld.idx.msk [tilespmem:v47+s19+$0x0], $0xffff;
	v47 =	vsub.f32 v57, v42  }
0x130: {  	v20 =	vadd.f32 v22, v20;
	v22 =	vsub.f32 v38, v21;
	v28 =	vmul.f32 v28, v28;
	v36 =	vld.idx.msk [tilespmem:v36+s19+$0x0], $0xffff  }
0x131: {  	v17 =	vadd.f32 v44, v17;
	v38 =	vsub.f32 v54, v42;
	v35 =	vld.idx.msk [tilespmem:v35+s4+$0x0], $0xffff  }
0x132: {  	v22 =	vmul.f32 v22, v22;
	v44 =	vsub.f32 v48, v40;
	v48 =	vld.idx.msk [tilespmem:v53+s19+$0x0], $0xffff  }
0x133: {  	v20 =	vadd.f32 v37, v20;
	v37 =	vmul.f32 v43, v43;
	v31 =	vsub.f32 v31, v42;
	v33 =	vld.idx.msk [tilespmem:v33+s19+$0x0], $0xffff  }
0x134: {  	v17 =	vadd.f32 v22, v17;
	v22 =	vsub.f32 v30, v21;
	v42 =	vmul.f32 v44, v44;
	v43 =	vld.idx.msk [tilespmem:v51+s19+$0x0], $0xffff  }
0x135: {  	v12 =	vadd.f32 v41, v12;
	v20 =	vadd.f32 v37, v20;
	v21 =	vmul.f32 v34, v34;
	v30 =	vld.idx.msk [tilespmem:v49+s19+$0x0], $0xffff  }
0x136: {  	v34 =	vsub.f32 v46, v40;
	v22 =	vmul.f32 v22, v22;
	v18 =	vadd.f32 v42, v18;
	v27 =	vld.idx.msk [tilespmem:v27+s19+$0x0], $0xffff  }
0x137: {  	v36 =	vsub.f32 v36, v35;
	v39 =	vsub.f32 v39, v35;
	v37 =	vld.idx.msk [tilespmem:v56+s19+$0x0], $0xffff  }
0x138: {  	v31 =	vmul.f32 v31, v31;
	v34 =	vmul.f32 v34, v34;
	v12 =	vadd.f32 v22, v12;
	v41 =	vld.idx.msk [tilespmem:v58+s19+$0x0], $0xffff  }
0x139: {  	v13 =	vadd.f32 v32, v13;
	v32 =	vmul.f32 v47, v47;
	v22 =	vmul.f32 v36, v36;
	v23 =	vld.idx.msk [tilespmem:v23+s19+$0x0], $0xffff  }
0x13a: {  	v29 =	vmul.f32 v29, v29;
	v12 =	vadd.f32 v31, v12;
	v36 =	vsub.f32 v43, v26;
	v25 =	vld.idx.msk [tilespmem:v25+s19+$0x0], $0xffff  }
0x13b: {  	v24 =	vmul.f32 v24, v24;
	v17 =	vadd.f32 v32, v17;
	v30 =	vsub.f32 v30, v35;
	v31 =	vld.idx.msk [tilespmem:v50+s19+$0x0], $0xffff  }
0x13c: {  	v12 =	vadd.f32 v29, v12;
	v36 =	vmul.f32 v36, v36;
	v27 =	vsub.f32 v27, v19;
	v32 =	vld.idx.msk [tilespmem:v55+s19+$0x0], $0xffff  }
0x13d: {  	v13 =	vadd.f32 v28, v13;
	v28 =	vmul.f32 v38, v38;
	v29 =	vsub.f32 v48, v26  }
0x13e: {  	v14 =	vadd.f32 v34, v14;
	v34 =	vsub.f32 v37, v19;
	v27 =	vmul.f32 v27, v27  }
0x13f: {  	v13 =	vadd.f32 v28, v13;
	v28 =	vmul.f32 v45, v45;
	v37 =	vsub.f32 v41, v19  }
0x140: {  	v33 =	vsub.f32 v33, v26;
	v19 =	vsub.f32 v25, v19  }
0x141: {  	v23 =	vsub.f32 v23, v40;
	v25 =	vsub.f32 v31, v26  }
0x142: {  	v14 =	vadd.f32 v36, v14;
	v31 =	vmul.f32 v34, v34;
	v26 =	vsub.f32 v32, v40  }
0x143: {  	v13 =	vadd.f32 v28, v13;
	v23 =	vmul.f32 v23, v23;
	v32 =	vmul.f32 v33, v33;
	v33 =	vld.idx.msk [tilespmem:v59+s19+$0x0], $0xffff  }
0x144: {  	v17 =	vadd.f32 v24, v17;
	v25 =	vmul.f32 v25, v25;
	v14 =	vadd.f32 v31, v14  }
0x145: {  	v24 =	vmul.f32 v30, v30;
	v16 =	vadd.f32 v23, v16;
	v23 =	vmul.f32 v26, v26  }
.Ltmp3:
0x146: {  	v28 =	vmul.f32 v37, v37;
	v18 =	vadd.f32 v32, v18;
	v26 =	vmul.f32 v29, v29;
	(pc) =	sbr.rel @p1 .LBB2_5-.Ltmp3, $4  }
0x147: {  	v25 =	vadd.f32 v25, v16;
	v16 =	vmul.f32 v19, v19;
	v14 =	vadd.f32 v24, v14  }
0x148: {  	v24 =	vmul.f32 v39, v39;
	v19 =	vadd.f32 v23, v15;
	v18 =	vadd.f32 v28, v18  }
0x149: {  	v15 =	vadd.f32 v27, v25;
	v23 =	vsub.f32 v33, v35  }
0x14a: {  	s30 =	smov.u32 s29;
	v19 =	vadd.f32 v26, v19;
	v18 =	vadd.f32 v24, v18  }
0x14b: {  	v20 =	vadd.f32 v21, v20;
	v15 =	vadd.f32 v22, v15  }
0x14c: {  	s0 =	sadd.s32 s28, s5  }
0x14d: {  	v51 =	vmul.f32 v23, v23;
	v16 =	vadd.f32 v16, v19;
	s2 =	sadd.s32 $0x40, s0;
	v15 =	vadd.f32 v20, v15  }
0x14e: {  	v14 =	vadd.f32 v17, v14;
	s30 =	sadd.s32 $0x50, s0;
	v13 =	vadd.f32 v13, v18;
	s31 =	sadd.s32 $0x60, s0;
	s0 =	sadd.s32 $0x70, s0;
	v52 =	vor.u32 s2, v0  }
0x14f: {  	v63 =	vor.u32 s0, v0;
	v16 =	vadd.f32 v51, v16;
	vm0 =	vlt.f32 v15, v7  }
0x150: {  	vm1 =	vlt.f32 v15, v8;
	vm2 =	vlt.f32 v15, v11;
	v20 =	vsel vm0, v15, v7  }
0x151: {  	v53 =	vsel vm1, v15, v8;
	v54 =	vsel vm1, v52, v6;
	v55 =	vsel vm0, v52, v9  }
0x152: {  	v11 =	vsel vm2, v15, v11;
	v10 =	vsel vm2, v52, v10;
	v12 =	vadd.f32 v12, v16  }
0x153: {  	v8 =	vsel vm1, v8, v20;
	v6 =	vsel vm1, v6, v55;
	v7 =	vsel vm0, v7, v11  }
0x154: {  	v9 =	vsel vm0, v9, v10;
	v10 =	vor.u32 s30, v0;
	vm8 =	vlt.f32 v14, v53  }
0x155: {  	vm7 =	vlt.f32 v14, v8;
	vm9 =	vlt.f32 v14, v7;
	v56 =	vsel vm8, v14, v53  }
0x156: {  	v57 =	vsel vm8, v10, v54;
	v11 =	vsel vm7, v14, v8;
	v58 =	vsel vm7, v10, v6  }
0x157: {  	v7 =	vsel vm9, v14, v7;
	vm11 =	vlt.f32 v13, v56;
	v11 =	vsel vm8, v53, v11  }
0x158: {  	v59 =	vsel vm8, v54, v58;
	v7 =	vsel vm7, v8, v7;
	v8 =	vsel vm9, v10, v9  }
0x159: {  	v10 =	vsel vm11, v13, v56;
	v6 =	vsel vm7, v6, v8;
	v8 =	vor.u32 s31, v0  }
0x15a: {  	vm10 =	vlt.f32 v13, v11;
	vm12 =	vlt.f32 v13, v7;
	vm14 =	vlt.f32 v12, v10  }
0x15b: {  	v9 =	vsel vm10, v13, v11;
	v60 =	vsel vm11, v8, v57;
	v61 =	vsel vm10, v8, v59  }
0x15c: {  	v7 =	vsel vm12, v13, v7;
	v6 =	vsel vm12, v8, v6;
	v9 =	vsel vm11, v56, v9  }
.Ltmp4:
0x15d: {  	v62 =	vsel vm11, v57, v61;
	v7 =	vsel vm10, v11, v7;
	v14 =	vsel vm10, v59, v6;
	(pc) =	sbr.rel @p0 .LBB2_8-.Ltmp4, $4  }
0x15e: {  	v11 =	vsel vm14, v12, v10;
	vm13 =	vlt.f32 v12, v9;
	vm15 =	vlt.f32 v12, v7  }
0x15f: {  	v6 =	vsel vm14, v63, v60;
	v8 =	vsel vm13, v12, v9;
	v12 =	vsel vm15, v12, v7  }
0x160: {  	v14 =	vsel vm15, v63, v14;
	v8 =	vsel vm14, v10, v8;
	v10 =	vsel vm13, v63, v62  }
0x161: {  	v7 =	vsel vm14, v60, v10;
	v10 =	vsel vm13, v9, v12;
	v9 =	vsel vm13, v62, v14  }
0x162: {  	s0 =	sadd.s32 s28, s12  }
.Ltmp5:
0x163: {  	s0 =	sshll.u32 s0, $0x6;
	(pc) =	sbr.rel .LBB2_2-.Ltmp5, $4  }
0x164: {  	s2 =	sadd.s32 s1, s0;
	s0 =	sand.u32 $0x1FFFF000, s0  }
0x165: {  	[tilespmem:s19], [sflag:$0x2] =	stream.linear.gather [hbm4b:s2+s4], $0x4000, $0x38;
	[tilespmem:$0x10600] =	vst v63  }
0x166: {  	s26 =	sadd.s32 $0x1, s26;
	s0 =	sadd.s32 s0, s7  }
0x167: {  	[tilespmem:s20], [sflag:$0x2] =	stream.linear.gather [hbm4b:s0+s4], $0x4000, $0x38;
	[tilespmem:$0x10600] =	vst v63  }
.LBB2_9:
0x168: {  	_ =	sfence.sel $0x180000  }
0x169: {  	[bflag:$0x0] =	sbarrier.arrive $0xFFFF  }
0x16a: {  	_ =	strace $0x90000047  }
0x16b: {  	s0 =	stileid.u32;
	[bflag:$0x2] =	sbarrier.arrive $0xFFFF  }
0x16c: {  	p0 =	sne.s32 s0, $0x0;
	s0 =	rddreg [dreg:$0x3]  }
0x16d: {  	s0 =	sadd.s32 @!p0 $0x100000, s0  }
0x16e: {  	[sflag:s0] =	ssyncadd.tile.s32 @!p0 $0x1;
	_ =	shalt  }
.Lfunc_end2:
_tile_overlayer_lowered:
.L_overlay_start_2:
0x16f: {  	(tag) =	ssettag $0x2  }
0x170: {  	s0 =	rddreg [dreg:$0x0];
	s2 =	stileid.u32  }
0x171: {  	s1 =	rddreg [dreg:$0x1];
	p0 =	sne.s32 s2, $0x0  }
0x172: {  	s3 =	rddreg [dreg:$0x2];
	[bflag:$0x3] =	sbarrier.arrive $0xFFFF;
	s2 =	simm.s32 @!p0 $0x1C03  }
0x173: {  	[timem:s3], [sflag:s2] =	dma.local @!p0 [hbm:s0], s1  }
0x174: {  	s0 =	simm.s32 @!p0 $0x3  }
0x175: {  	_ =	swait.ge @!p0 [sflag:s0], s1  }
0x176: {  	s1 =	ssub.s32 @!p0 $0x0, s1;
	[sflag:s0] =	ssyncset.done @!p0 $0x0  }
0x177: {  	[sflag:s0] =	ssyncadd.s32 @!p0 s1  }
0x178: {  	[bflag:$0x3] =	sbarrier.arrive $0xFFFF  }
0x179: {  	_ =	shalt  }

</sc_bundles>
